<compile_context>
chip_gen: v7x
topology: tpu7x:2x2x1
jax: 0.10.2.dev20260603
libtpu: 0.0.44.dev20260713+nightly
codegen_flags: <defaults>
</compile_context>

<pallas_src>
import functools
import jax
import jax.numpy as jnp
import numpy as np
from jax import lax
from jax.experimental import pallas as pl
from jax.experimental.pallas import tpu as pltpu
from jax.experimental.pallas import tpu_sc as plsc

_C = 64
_K = 16
_DEPTH = 4
_D = 512
_M = 512
_TN = 2048
_SUB = 256
_W = 2 * _C


def _proj_body(x_ref, abd_ref, o_ref):
    nsub = _TN // _SUB
    for s in range(nsub):
        x = x_ref[pl.ds(s * _SUB, _SUB), :].astype(jnp.bfloat16)
        proj = jnp.dot(x, abd_ref[...], preferred_element_type=jnp.float32)
        o_ref[pl.ds(s * _SUB, _SUB), :] = proj.astype(jnp.bfloat16).astype(jnp.float32)


def _mm_body(cd_ref, lr_ref, o_ref):
    lr = lr_ref[...]
    nsub = _TN // _SUB
    for s in range(nsub):
        cd = cd_ref[pl.ds(s * _SUB, _SUB), :]
        one = jnp.float32(1)
        neg = jnp.float32(-1)
        b0 = jnp.bitwise_and(cd, 8) > 0
        b1 = jnp.bitwise_and(cd, 4) > 0
        b2 = jnp.bitwise_and(cd, 2) > 0
        b3 = jnp.bitwise_and(cd, 1) > 0
        s1 = jnp.where(b1, one, neg)
        s2 = jnp.where(b2, one, neg)
        s3 = jnp.where(b3, one, neg)
        lane = lax.broadcasted_iota(jnp.int32, cd.shape, 1)
        B0 = jnp.where(jnp.logical_or(lane < _C, b0), one, neg)
        s12 = s1 * s2
        s13 = s1 * s3
        s23 = s2 * s3
        s123 = s12 * s3
        pairs = [B0, s1 * B0, s2 * B0, s12 * B0,
                 s3 * B0, s13 * B0, s23 * B0, s123 * B0]
        feats = jnp.concatenate([g.astype(jnp.bfloat16) for g in pairs], axis=1)
        o_ref[pl.ds(s * _SUB, _SUB), :] = jnp.dot(
            feats, lr, preferred_element_type=jnp.float32)


def _sc_encode(projr, tflat, n_rows):
    info = plsc.get_sparse_core_info()
    nw = info.num_cores * info.num_subcores
    rows_per_w = n_rows // nw
    mesh = plsc.VectorSubcoreMesh(core_axis_name="c", subcore_axis_name="s")

    @functools.partial(
        pl.kernel, mesh=mesh,
        out_type=jax.ShapeDtypeStruct((n_rows, _W), jnp.int32),
        scratch_types=[
            pltpu.VMEM((rows_per_w, _DEPTH * _C), jnp.float32),
            pltpu.VMEM(((_K - 1) * _C,), jnp.float32),
            pltpu.VMEM((rows_per_w, _W), jnp.int32),
        ],
    )
    def enc(proj_hbm, t_hbm, codes_hbm, pv, tv, cv):
        wid = lax.axis_index("s") * info.num_cores + lax.axis_index("c")
        base = wid * rows_per_w
        pltpu.sync_copy(proj_hbm.at[pl.ds(base, rows_per_w)], pv)
        pltpu.sync_copy(t_hbm, tv)

        zero = jnp.int32(0)
        for g in range(_C // 16):
            ts = [tv[pl.ds(i * _C + g * 16, 16)] for i in range(_K - 1)]

            def row_body(r, carry, g=g, ts=ts):
                p0 = pv[r, pl.ds(0 * _C + g * 16, 16)]
                p1 = pv[r, pl.ds(1 * _C + g * 16, 16)]
                p2 = pv[r, pl.ds(2 * _C + g * 16, 16)]
                p3 = pv[r, pl.ds(3 * _C + g * 16, 16)]
                b0 = p0 > ts[0]
                t1 = jnp.where(b0, ts[2], ts[1])
                b1 = p1 > t1
                t2 = jnp.where(b0,
                               jnp.where(b1, ts[6], ts[5]),
                               jnp.where(b1, ts[4], ts[3]))
                b2 = p2 > t2
                t3 = jnp.where(
                    b0,
                    jnp.where(b1,
                              jnp.where(b2, ts[14], ts[13]),
                              jnp.where(b2, ts[12], ts[11])),
                    jnp.where(b1,
                              jnp.where(b2, ts[10], ts[9]),
                              jnp.where(b2, ts[8], ts[7])))
                b3 = p3 > t3
                leaf = (jnp.where(b0, jnp.int32(8), zero)
                        + jnp.where(b1, jnp.int32(4), zero)
                        + jnp.where(b2, jnp.int32(2), zero)
                        + jnp.where(b3, jnp.int32(1), zero))
                cv[r, pl.ds(g * 16, 16)] = leaf
                cv[r, pl.ds(_C + g * 16, 16)] = leaf
                return carry

            lax.fori_loop(0, rows_per_w, row_body, 0)

        pltpu.sync_copy(cv, codes_hbm.at[pl.ds(base, rows_per_w)])

    return enc(projr, tflat)


def kernel(I, T, L, S, B, A):
    del S, B
    N = I.shape[0]
    f = _D // _C

    eye = jnp.eye(_C, dtype=A.dtype)
    abd = jnp.einsum('cjl,cx->cjlx', A, eye).reshape(
        _C * f, _DEPTH * _C).astype(jnp.bfloat16)

    tflat = T.reshape(_C, _K - 1).T.reshape(-1)

    kk = np.arange(_K)
    hm = np.ones((_K, _K), np.float32)
    for l in range(_DEPTH):
        kbit = 2.0 * ((kk >> (_DEPTH - 1 - l)) & 1) - 1.0
        for s_mask in range(_K):
            if (s_mask >> l) & 1:
                hm[s_mask, :] *= kbit
    hm = jnp.asarray(hm / _K)
    w = jnp.einsum('mck,sk->scm', L, hm, precision=lax.Precision.HIGHEST)
    lr = w.reshape(_K * _C, _M).astype(jnp.bfloat16)

    projr = pl.pallas_call(
        _proj_body,
        grid=(N // _TN,),
        in_specs=[
            pl.BlockSpec((_TN, _D), lambda i: (i, 0)),
            pl.BlockSpec((_D, _DEPTH * _C), lambda i: (0, 0)),
        ],
        out_specs=pl.BlockSpec((_TN, _DEPTH * _C), lambda i: (i, 0)),
        out_shape=jax.ShapeDtypeStruct((N, _DEPTH * _C), jnp.float32),
    )(I, abd)

    codes = _sc_encode(projr, tflat, N)

    return pl.pallas_call(
        _mm_body,
        grid=(N // _TN,),
        in_specs=[
            pl.BlockSpec((_TN, _W), lambda i: (i, 0)),
            pl.BlockSpec((_K * _C, _M), lambda i: (0, 0)),
        ],
        out_specs=pl.BlockSpec((_TN, _M), lambda i: (i, 0)),
        out_shape=jax.ShapeDtypeStruct((N, _M), jnp.float32),
    )(codes, lr)

# --- scband reference (transcript-rebuilt; emitter-appended) ---
"""Pipeline reference for scband-halut-matmul-13546326851791 (READ-ONLY COPY).

The authoritative reference and input builder live on the scoring server;
editing this copy changes nothing except your own understanding.
"""

import math
import jax, jax.numpy as jnp
import numpy as np

C = 64
K = 16
DEPTH = 4  # int(sqrt(K)) == tree depth for K=16
D = 512    # input feature dim (im2col of a conv layer), divisible by C -> D//C = 8
M = 512    # output columns of the replaced matmul
N = 8192   # rows (e.g. batch 32 x 16x16 spatial positions)


def create_selection_matrix(C, K):
    depth = int(math.sqrt(K))
    base = np.zeros((K - 1, depth), dtype=np.float32)
    for i in range(K - 1):
        if i == 0:
            base[0, 0] = 1.0
        else:
            base[i, int(np.log2(i + 1))] = 1.0
    sel = np.zeros((C * (K - 1), C * depth), dtype=np.float32)
    for c in range(C):
        sel[c * (K - 1):(c + 1) * (K - 1), c * depth:(c + 1) * depth] = base
    return jnp.asarray(sel)


def create_bit_matrix(C, K):
    depth = int(math.sqrt(K))
    base = np.zeros((K, K - 1), dtype=np.float32)
    for k in range(K):
        node = 0
        for l in range(depth):
            bit = (k >> (depth - 1 - l)) & 1
            base[k, node] = 1.0 if bit else -1.0
            node = 2 * node + 1 + bit
    bm = np.zeros((C * K, C * (K - 1)), dtype=np.float32)
    for c in range(C):
        bm[c * K:(c + 1) * K, c * (K - 1):(c + 1) * (K - 1)] = base
    return jnp.asarray(bm)


def setup_inputs(seed: int = 0) -> dict:
    key = jax.random.key(seed)
    k1, k2, k3, k4 = jax.random.split(key, 4)
    I = jax.random.normal(k1, (N, D), dtype=jnp.float32)
    A = jax.random.normal(k2, (C, D // C, DEPTH), dtype=jnp.float32) * (1.0 / math.sqrt(D // C))
    T = jax.random.normal(k3, (C * (K - 1),), dtype=jnp.float32) * 0.1
    L = jax.random.normal(k4, (M, C, K), dtype=jnp.float32) * 0.05
    S = create_selection_matrix(C, K)
    B = create_bit_matrix(C, K)
    return {"I": I, "T": T, "L": L, "S": S, "B": B, "A": A}


def halut_matmul_forward(I, T, L, S, B, A, C=C, K=K):
    # learned per-codebook projection A: [N, D] -> [N, C*depth]
    I_reshaped = jnp.transpose(I.T.reshape((C, -1, I.shape[0])), (0, 2, 1))  # (C, N, D//C)
    proj = jnp.matmul(I_reshaped, A)                                          # (C, N, depth)
    inp = jnp.transpose(proj, (0, 2, 1)).reshape((C * A.shape[2], -1)).T      # (N, C*depth)
    # decision-tree traversal as matmul: node responses vs thresholds
    h = inp @ S.T - T                                                          # (N, C*(K-1))
    tanh_h = jnp.tanh(h)
    sign_ste = jnp.sign(h) - jax.lax.stop_gradient(tanh_h) + tanh_h            # straight-through sign
    c = (sign_ste @ B.T).reshape((-1, C, K))                                   # (N, C, K) leaf scores
    soft = jax.nn.softmax(c, axis=2)
    idx = jnp.argmax(soft, axis=2)
    hard = jax.nn.one_hot(idx, K, dtype=soft.dtype)
    E = hard - jax.lax.stop_gradient(soft) + soft                              # straight-through one-hot
    # LUT read as dense contraction: out[n, m] = sum_c L[m, c, enc[n, c]]
    return jnp.einsum("nck,mck->nm", E, L)


def reference(I, T, L, S, B, A):
    return halut_matmul_forward(I, T, L, S, B, A)

if __name__ == "__main__":
    import jax
    _d = setup_inputs()
    print(jax.jit(kernel)(*tuple(_d.values())))

</pallas_src>

<mosaic_0001>
#map = affine_map<(d0, d1) -> (0, 0)>
#map1 = affine_map<(d0, d1) -> (0)>
module attributes {stable_mosaic.version = 14 : i64} {
  func.func @enc(%arg0: i32, %arg1: i32, %arg2: memref<8192x256xf32, #tpu.memory_space<hbm>>, %arg3: memref<960xf32, #tpu.memory_space<hbm>>, %arg4: memref<8192x128xi32, #tpu.memory_space<hbm>>, %arg5: memref<256x256xf32, #tpu.memory_space<vmem>>, %arg6: memref<960xf32, #tpu.memory_space<vmem>>, %arg7: memref<256x128xi32, #tpu.memory_space<vmem>>) attributes {dimension_semantics = [#tpu.dimension_semantics<core_parallel>, #tpu.dimension_semantics<subcore_parallel>], iteration_bounds = array<i64: 2, 16>, scalar_prefetch = 0 : i64, scratch_operands = 3 : i64, tpu.core_type = #tpu.core_type<sc_vector_subcore>, window_params = [{transform_indices = #map}, {transform_indices = #map1}, {transform_indices = #map}]} {
    %mul3A = arith.constant 2 : i32
    %mul3A_0 = arith.muli %arg1, %mul3A : i32
    %add3A = arith.addi %mul3A_0, %arg0 : i32
    %mul3A_1 = arith.constant 256 : i32
    %mul3A_2 = arith.muli %add3A, %mul3A_1 : i32
    "tpu.region"() ({
      %run_scoped3A = tpu.sem_alloc : memref<!tpu.dma_semaphore, #tpu.memory_space<semaphore_mem>>
      %dma_start3A = arith.constant 0 : i32
      %dma_start3A_209 = tpu.memref_slice %arg2[%mul3A_2, %dma_start3A] : memref<8192x256xf32, #tpu.memory_space<hbm>> -> memref<256x256xf32, #tpu.memory_space<hbm>>
      %dma_start3A_210 = arith.constant 0 : i32
      %dma_start3A_211 = tpu.memref_slice %arg2[%mul3A_2, %dma_start3A_210] : memref<8192x256xf32, #tpu.memory_space<hbm>> -> memref<256x256xf32, #tpu.memory_space<hbm>>
      tpu.enqueue_dma source(%dma_start3A_211 : memref<256x256xf32, #tpu.memory_space<hbm>>) target(%arg5 : memref<256x256xf32, #tpu.memory_space<vmem>>) target_semaphore(%run_scoped3A : memref<!tpu.dma_semaphore, #tpu.memory_space<semaphore_mem>>)
      %dma_wait3A = arith.constant 0 : i32
      %dma_wait3A_212 = tpu.memref_slice %arg2[%mul3A_2, %dma_wait3A] : memref<8192x256xf32, #tpu.memory_space<hbm>> -> memref<256x256xf32, #tpu.memory_space<hbm>>
      %dma_wait3A_213 = arith.constant 0 : i32
      %dma_wait3A_214 = tpu.memref_slice %arg2[%mul3A_2, %dma_wait3A_213] : memref<8192x256xf32, #tpu.memory_space<hbm>> -> memref<256x256xf32, #tpu.memory_space<hbm>>
      tpu.wait_dma2 semaphore(%run_scoped3A : memref<!tpu.dma_semaphore, #tpu.memory_space<semaphore_mem>>) src(%dma_wait3A_214 : memref<256x256xf32, #tpu.memory_space<hbm>>) dst(%arg5 : memref<256x256xf32, #tpu.memory_space<vmem>>)
      tpu.yield
    }) : () -> ()
    "tpu.region"() ({
      %run_scoped3A = tpu.sem_alloc : memref<!tpu.dma_semaphore, #tpu.memory_space<semaphore_mem>>
      tpu.enqueue_dma source(%arg3 : memref<960xf32, #tpu.memory_space<hbm>>) target(%arg6 : memref<960xf32, #tpu.memory_space<vmem>>) target_semaphore(%run_scoped3A : memref<!tpu.dma_semaphore, #tpu.memory_space<semaphore_mem>>)
      tpu.wait_dma2 semaphore(%run_scoped3A : memref<!tpu.dma_semaphore, #tpu.memory_space<semaphore_mem>>) src(%arg3 : memref<960xf32, #tpu.memory_space<hbm>>) dst(%arg6 : memref<960xf32, #tpu.memory_space<vmem>>)
      tpu.yield
    }) : () -> ()
    %get3A = arith.constant 0 : index
    %get3A_3 = tpu.vector_load %arg6[%get3A] {strides = array<i32>} : memref<960xf32, #tpu.memory_space<vmem>>, vector<16xf32>,
    %get3A_4 = vector.shape_cast %get3A_3 : vector<16xf32> to vector<16xf32>
    %get3A_5 = arith.constant 64 : index
    %get3A_6 = tpu.vector_load %arg6[%get3A_5] {strides = array<i32>} : memref<960xf32, #tpu.memory_space<vmem>>, vector<16xf32>,
    %get3A_7 = vector.shape_cast %get3A_6 : vector<16xf32> to vector<16xf32>
    %get3A_8 = arith.constant 128 : index
    %get3A_9 = tpu.vector_load %arg6[%get3A_8] {strides = array<i32>} : memref<960xf32, #tpu.memory_space<vmem>>, vector<16xf32>,
    %get3A_10 = vector.shape_cast %get3A_9 : vector<16xf32> to vector<16xf32>
    %get3A_11 = arith.constant 192 : index
    %get3A_12 = tpu.vector_load %arg6[%get3A_11] {strides = array<i32>} : memref<960xf32, #tpu.memory_space<vmem>>, vector<16xf32>,
    %get3A_13 = vector.shape_cast %get3A_12 : vector<16xf32> to vector<16xf32>
    %get3A_14 = arith.constant 256 : index
    %get3A_15 = tpu.vector_load %arg6[%get3A_14] {strides = array<i32>} : memref<960xf32, #tpu.memory_space<vmem>>, vector<16xf32>,
    %get3A_16 = vector.shape_cast %get3A_15 : vector<16xf32> to vector<16xf32>
    %get3A_17 = arith.constant 320 : index
    %get3A_18 = tpu.vector_load %arg6[%get3A_17] {strides = array<i32>} : memref<960xf32, #tpu.memory_space<vmem>>, vector<16xf32>,
    %get3A_19 = vector.shape_cast %get3A_18 : vector<16xf32> to vector<16xf32>
    %get3A_20 = arith.constant 384 : index
    %get3A_21 = tpu.vector_load %arg6[%get3A_20] {strides = array<i32>} : memref<960xf32, #tpu.memory_space<vmem>>, vector<16xf32>,
    %get3A_22 = vector.shape_cast %get3A_21 : vector<16xf32> to vector<16xf32>
    %get3A_23 = arith.constant 448 : index
    %get3A_24 = tpu.vector_load %arg6[%get3A_23] {strides = array<i32>} : memref<960xf32, #tpu.memory_space<vmem>>, vector<16xf32>,
    %get3A_25 = vector.shape_cast %get3A_24 : vector<16xf32> to vector<16xf32>
    %get3A_26 = arith.constant 512 : index
    %get3A_27 = tpu.vector_load %arg6[%get3A_26] {strides = array<i32>} : memref<960xf32, #tpu.memory_space<vmem>>, vector<16xf32>,
    %get3A_28 = vector.shape_cast %get3A_27 : vector<16xf32> to vector<16xf32>
    %get3A_29 = arith.constant 576 : index
    %get3A_30 = tpu.vector_load %arg6[%get3A_29] {strides = array<i32>} : memref<960xf32, #tpu.memory_space<vmem>>, vector<16xf32>,
    %get3A_31 = vector.shape_cast %get3A_30 : vector<16xf32> to vector<16xf32>
    %get3A_32 = arith.constant 640 : index
    %get3A_33 = tpu.vector_load %arg6[%get3A_32] {strides = array<i32>} : memref<960xf32, #tpu.memory_space<vmem>>, vector<16xf32>,
    %get3A_34 = vector.shape_cast %get3A_33 : vector<16xf32> to vector<16xf32>
    %get3A_35 = arith.constant 704 : index
    %get3A_36 = tpu.vector_load %arg6[%get3A_35] {strides = array<i32>} : memref<960xf32, #tpu.memory_space<vmem>>, vector<16xf32>,
    %get3A_37 = vector.shape_cast %get3A_36 : vector<16xf32> to vector<16xf32>
    %get3A_38 = arith.constant 768 : index
    %get3A_39 = tpu.vector_load %arg6[%get3A_38] {strides = array<i32>} : memref<960xf32, #tpu.memory_space<vmem>>, vector<16xf32>,
    %get3A_40 = vector.shape_cast %get3A_39 : vector<16xf32> to vector<16xf32>
    %get3A_41 = arith.constant 832 : index
    %get3A_42 = tpu.vector_load %arg6[%get3A_41] {strides = array<i32>} : memref<960xf32, #tpu.memory_space<vmem>>, vector<16xf32>,
    %get3A_43 = vector.shape_cast %get3A_42 : vector<16xf32> to vector<16xf32>
    %get3A_44 = arith.constant 896 : index
    %get3A_45 = tpu.vector_load %arg6[%get3A_44] {strides = array<i32>} : memref<960xf32, #tpu.memory_space<vmem>>, vector<16xf32>,
    %get3A_46 = vector.shape_cast %get3A_45 : vector<16xf32> to vector<16xf32>
    %scan3A = arith.constant 0 : i32
    %scan3A_47 = arith.constant 0 : i32
    %scan3A_48 = arith.constant 0 : i32
    %scan3A_49 = arith.constant 256 : i32
    %scan3A_50 = arith.addi %scan3A_48, %scan3A_49 : i32
    %scan3A_51 = arith.constant 1 : i32
    scf.for %scan3A_209 = %scan3A_48 to %scan3A_50 step %scan3A_51  : i32 {
      %get3A_210 = arith.index_cast %scan3A_209 : i32 to index
      %get3A_211 = arith.constant 0 : index
      %get3A_212 = tpu.vector_load %arg5[%get3A_210, %get3A_211] {strides = array<i32>} : memref<256x256xf32, #tpu.memory_space<vmem>>, vector<1x16xf32>,
      %get3A_213 = vector.shape_cast %get3A_212 : vector<1x16xf32> to vector<16xf32>
      %get3A_214 = arith.index_cast %scan3A_209 : i32 to index
      %get3A_215 = arith.constant 64 : index
      %get3A_216 = tpu.vector_load %arg5[%get3A_214, %get3A_215] {strides = array<i32>} : memref<256x256xf32, #tpu.memory_space<vmem>>, vector<1x16xf32>,
      %get3A_217 = vector.shape_cast %get3A_216 : vector<1x16xf32> to vector<16xf32>
      %get3A_218 = arith.index_cast %scan3A_209 : i32 to index
      %get3A_219 = arith.constant 128 : index
      %get3A_220 = tpu.vector_load %arg5[%get3A_218, %get3A_219] {strides = array<i32>} : memref<256x256xf32, #tpu.memory_space<vmem>>, vector<1x16xf32>,
      %get3A_221 = vector.shape_cast %get3A_220 : vector<1x16xf32> to vector<16xf32>
      %get3A_222 = arith.index_cast %scan3A_209 : i32 to index
      %get3A_223 = arith.constant 192 : index
      %get3A_224 = tpu.vector_load %arg5[%get3A_222, %get3A_223] {strides = array<i32>} : memref<256x256xf32, #tpu.memory_space<vmem>>, vector<1x16xf32>,
      %get3A_225 = vector.shape_cast %get3A_224 : vector<1x16xf32> to vector<16xf32>
      %gt3A = arith.cmpf ogt, %get3A_213, %get3A_4 : vector<16xf32>
      %select_n3A = arith.select %gt3A, %get3A_10, %get3A_7 : vector<16xi1>, vector<16xf32>
      %gt3A_226 = arith.cmpf ogt, %get3A_217, %select_n3A : vector<16xf32>
      %select_n3A_227 = arith.select %gt3A_226, %get3A_22, %get3A_19 : vector<16xi1>, vector<16xf32>
      %select_n3A_228 = arith.select %gt3A_226, %get3A_16, %get3A_13 : vector<16xi1>, vector<16xf32>
      %select_n3A_229 = arith.select %gt3A, %select_n3A_227, %select_n3A_228 : vector<16xi1>, vector<16xf32>
      %gt3A_230 = arith.cmpf ogt, %get3A_221, %select_n3A_229 : vector<16xf32>
      %select_n3A_231 = arith.select %gt3A_230, %get3A_46, %get3A_43 : vector<16xi1>, vector<16xf32>
      %select_n3A_232 = arith.select %gt3A_230, %get3A_40, %get3A_37 : vector<16xi1>, vector<16xf32>
      %select_n3A_233 = arith.select %gt3A_226, %select_n3A_231, %select_n3A_232 : vector<16xi1>, vector<16xf32>
      %select_n3A_234 = arith.select %gt3A_230, %get3A_34, %get3A_31 : vector<16xi1>, vector<16xf32>
      %select_n3A_235 = arith.select %gt3A_230, %get3A_28, %get3A_25 : vector<16xi1>, vector<16xf32>
      %select_n3A_236 = arith.select %gt3A_226, %select_n3A_234, %select_n3A_235 : vector<16xi1>, vector<16xf32>
      %select_n3A_237 = arith.select %gt3A, %select_n3A_233, %select_n3A_236 : vector<16xi1>, vector<16xf32>
      %gt3A_238 = arith.cmpf ogt, %get3A_225, %select_n3A_237 : vector<16xf32>
      %jit3A = arith.constant 8 : i32
      %broadcast_in_dim3A = vector.broadcast %jit3A : i32 to vector<16xi32>
      %broadcast_in_dim3A_239 = vector.broadcast %scan3A_47 : i32 to vector<16xi32>
      %select_n3A_240 = arith.select %gt3A, %broadcast_in_dim3A, %broadcast_in_dim3A_239 : vector<16xi1>, vector<16xi32>
      %jit3A_241 = arith.constant 4 : i32
      %broadcast_in_dim3A_242 = vector.broadcast %jit3A_241 : i32 to vector<16xi32>
      %broadcast_in_dim3A_243 = vector.broadcast %scan3A_47 : i32 to vector<16xi32>
      %select_n3A_244 = arith.select %gt3A_226, %broadcast_in_dim3A_242, %broadcast_in_dim3A_243 : vector<16xi1>, vector<16xi32>
      %add3A_245 = arith.addi %select_n3A_240, %select_n3A_244 : vector<16xi32>
      %jit3A_246 = arith.constant 2 : i32
      %broadcast_in_dim3A_247 = vector.broadcast %jit3A_246 : i32 to vector<16xi32>
      %broadcast_in_dim3A_248 = vector.broadcast %scan3A_47 : i32 to vector<16xi32>
      %select_n3A_249 = arith.select %gt3A_230, %broadcast_in_dim3A_247, %broadcast_in_dim3A_248 : vector<16xi1>, vector<16xi32>
      %add3A_250 = arith.addi %add3A_245, %select_n3A_249 : vector<16xi32>
      %jit3A_251 = arith.constant 1 : i32
      %broadcast_in_dim3A_252 = vector.broadcast %jit3A_251 : i32 to vector<16xi32>
      %broadcast_in_dim3A_253 = vector.broadcast %scan3A_47 : i32 to vector<16xi32>
      %select_n3A_254 = arith.select %gt3A_238, %broadcast_in_dim3A_252, %broadcast_in_dim3A_253 : vector<16xi1>, vector<16xi32>
      %add3A_255 = arith.addi %add3A_250, %select_n3A_254 : vector<16xi32>
      %swap3A = arith.index_cast %scan3A_209 : i32 to index
      %swap3A_256 = arith.constant 0 : index
      %swap3A_257 = tpu.vector_load %arg7[%swap3A, %swap3A_256] {strides = array<i32>} : memref<256x128xi32, #tpu.memory_space<vmem>>, vector<1x16xi32>,
      %swap3A_258 = vector.shape_cast %swap3A_257 : vector<1x16xi32> to vector<16xi32>
      %swap3A_259 = vector.shape_cast %add3A_255 : vector<16xi32> to vector<1x16xi32>
      tpu.vector_store %arg7[%swap3A, %swap3A_256], %swap3A_259 {strides = array<i32>} : memref<256x128xi32, #tpu.memory_space<vmem>>, vector<1x16xi32>,
      %swap3A_260 = arith.index_cast %scan3A_209 : i32 to index
      %swap3A_261 = arith.constant 64 : index
      %swap3A_262 = tpu.vector_load %arg7[%swap3A_260, %swap3A_261] {strides = array<i32>} : memref<256x128xi32, #tpu.memory_space<vmem>>, vector<1x16xi32>,
      %swap3A_263 = vector.shape_cast %swap3A_262 : vector<1x16xi32> to vector<16xi32>
      %swap3A_264 = vector.shape_cast %add3A_255 : vector<16xi32> to vector<1x16xi32>
      tpu.vector_store %arg7[%swap3A_260, %swap3A_261], %swap3A_264 {strides = array<i32>} : memref<256x128xi32, #tpu.memory_space<vmem>>, vector<1x16xi32>,
    }
    %scan3A_52 = arith.constant 256 : i32
    %get3A_53 = arith.constant 16 : index
    %get3A_54 = tpu.vector_load %arg6[%get3A_53] {strides = array<i32>} : memref<960xf32, #tpu.memory_space<vmem>>, vector<16xf32>,
    %get3A_55 = vector.shape_cast %get3A_54 : vector<16xf32> to vector<16xf32>
    %get3A_56 = arith.constant 80 : index
    %get3A_57 = tpu.vector_load %arg6[%get3A_56] {strides = array<i32>} : memref<960xf32, #tpu.memory_space<vmem>>, vector<16xf32>,
    %get3A_58 = vector.shape_cast %get3A_57 : vector<16xf32> to vector<16xf32>
    %get3A_59 = arith.constant 144 : index
    %get3A_60 = tpu.vector_load %arg6[%get3A_59] {strides = array<i32>} : memref<960xf32, #tpu.memory_space<vmem>>, vector<16xf32>,
    %get3A_61 = vector.shape_cast %get3A_60 : vector<16xf32> to vector<16xf32>
    %get3A_62 = arith.constant 208 : index
    %get3A_63 = tpu.vector_load %arg6[%get3A_62] {strides = array<i32>} : memref<960xf32, #tpu.memory_space<vmem>>, vector<16xf32>,
    %get3A_64 = vector.shape_cast %get3A_63 : vector<16xf32> to vector<16xf32>
    %get3A_65 = arith.constant 272 : index
    %get3A_66 = tpu.vector_load %arg6[%get3A_65] {strides = array<i32>} : memref<960xf32, #tpu.memory_space<vmem>>, vector<16xf32>,
    %get3A_67 = vector.shape_cast %get3A_66 : vector<16xf32> to vector<16xf32>
    %get3A_68 = arith.constant 336 : index
    %get3A_69 = tpu.vector_load %arg6[%get3A_68] {strides = array<i32>} : memref<960xf32, #tpu.memory_space<vmem>>, vector<16xf32>,
    %get3A_70 = vector.shape_cast %get3A_69 : vector<16xf32> to vector<16xf32>
    %get3A_71 = arith.constant 400 : index
    %get3A_72 = tpu.vector_load %arg6[%get3A_71] {strides = array<i32>} : memref<960xf32, #tpu.memory_space<vmem>>, vector<16xf32>,
    %get3A_73 = vector.shape_cast %get3A_72 : vector<16xf32> to vector<16xf32>
    %get3A_74 = arith.constant 464 : index
    %get3A_75 = tpu.vector_load %arg6[%get3A_74] {strides = array<i32>} : memref<960xf32, #tpu.memory_space<vmem>>, vector<16xf32>,
    %get3A_76 = vector.shape_cast %get3A_75 : vector<16xf32> to vector<16xf32>
    %get3A_77 = arith.constant 528 : index
    %get3A_78 = tpu.vector_load %arg6[%get3A_77] {strides = array<i32>} : memref<960xf32, #tpu.memory_space<vmem>>, vector<16xf32>,
    %get3A_79 = vector.shape_cast %get3A_78 : vector<16xf32> to vector<16xf32>
    %get3A_80 = arith.constant 592 : index
    %get3A_81 = tpu.vector_load %arg6[%get3A_80] {strides = array<i32>} : memref<960xf32, #tpu.memory_space<vmem>>, vector<16xf32>,
    %get3A_82 = vector.shape_cast %get3A_81 : vector<16xf32> to vector<16xf32>
    %get3A_83 = arith.constant 656 : index
    %get3A_84 = tpu.vector_load %arg6[%get3A_83] {strides = array<i32>} : memref<960xf32, #tpu.memory_space<vmem>>, vector<16xf32>,
    %get3A_85 = vector.shape_cast %get3A_84 : vector<16xf32> to vector<16xf32>
    %get3A_86 = arith.constant 720 : index
    %get3A_87 = tpu.vector_load %arg6[%get3A_86] {strides = array<i32>} : memref<960xf32, #tpu.memory_space<vmem>>, vector<16xf32>,
    %get3A_88 = vector.shape_cast %get3A_87 : vector<16xf32> to vector<16xf32>
    %get3A_89 = arith.constant 784 : index
    %get3A_90 = tpu.vector_load %arg6[%get3A_89] {strides = array<i32>} : memref<960xf32, #tpu.memory_space<vmem>>, vector<16xf32>,
    %get3A_91 = vector.shape_cast %get3A_90 : vector<16xf32> to vector<16xf32>
    %get3A_92 = arith.constant 848 : index
    %get3A_93 = tpu.vector_load %arg6[%get3A_92] {strides = array<i32>} : memref<960xf32, #tpu.memory_space<vmem>>, vector<16xf32>,
    %get3A_94 = vector.shape_cast %get3A_93 : vector<16xf32> to vector<16xf32>
    %get3A_95 = arith.constant 912 : index
    %get3A_96 = tpu.vector_load %arg6[%get3A_95] {strides = array<i32>} : memref<960xf32, #tpu.memory_space<vmem>>, vector<16xf32>,
    %get3A_97 = vector.shape_cast %get3A_96 : vector<16xf32> to vector<16xf32>
    %scan3A_98 = arith.constant 0 : i32
    %scan3A_99 = arith.constant 0 : i32
    %scan3A_100 = arith.constant 0 : i32
    %scan3A_101 = arith.constant 256 : i32
    %scan3A_102 = arith.addi %scan3A_100, %scan3A_101 : i32
    %scan3A_103 = arith.constant 1 : i32
    scf.for %scan3A_209 = %scan3A_100 to %scan3A_102 step %scan3A_103  : i32 {
      %get3A_210 = arith.index_cast %scan3A_209 : i32 to index
      %get3A_211 = arith.constant 16 : index
      %get3A_212 = tpu.vector_load %arg5[%get3A_210, %get3A_211] {strides = array<i32>} : memref<256x256xf32, #tpu.memory_space<vmem>>, vector<1x16xf32>,
      %get3A_213 = vector.shape_cast %get3A_212 : vector<1x16xf32> to vector<16xf32>
      %get3A_214 = arith.index_cast %scan3A_209 : i32 to index
      %get3A_215 = arith.constant 80 : index
      %get3A_216 = tpu.vector_load %arg5[%get3A_214, %get3A_215] {strides = array<i32>} : memref<256x256xf32, #tpu.memory_space<vmem>>, vector<1x16xf32>,
      %get3A_217 = vector.shape_cast %get3A_216 : vector<1x16xf32> to vector<16xf32>
      %get3A_218 = arith.index_cast %scan3A_209 : i32 to index
      %get3A_219 = arith.constant 144 : index
      %get3A_220 = tpu.vector_load %arg5[%get3A_218, %get3A_219] {strides = array<i32>} : memref<256x256xf32, #tpu.memory_space<vmem>>, vector<1x16xf32>,
      %get3A_221 = vector.shape_cast %get3A_220 : vector<1x16xf32> to vector<16xf32>
      %get3A_222 = arith.index_cast %scan3A_209 : i32 to index
      %get3A_223 = arith.constant 208 : index
      %get3A_224 = tpu.vector_load %arg5[%get3A_222, %get3A_223] {strides = array<i32>} : memref<256x256xf32, #tpu.memory_space<vmem>>, vector<1x16xf32>,
      %get3A_225 = vector.shape_cast %get3A_224 : vector<1x16xf32> to vector<16xf32>
      %gt3A = arith.cmpf ogt, %get3A_213, %get3A_55 : vector<16xf32>
      %select_n3A = arith.select %gt3A, %get3A_61, %get3A_58 : vector<16xi1>, vector<16xf32>
      %gt3A_226 = arith.cmpf ogt, %get3A_217, %select_n3A : vector<16xf32>
      %select_n3A_227 = arith.select %gt3A_226, %get3A_73, %get3A_70 : vector<16xi1>, vector<16xf32>
      %select_n3A_228 = arith.select %gt3A_226, %get3A_67, %get3A_64 : vector<16xi1>, vector<16xf32>
      %select_n3A_229 = arith.select %gt3A, %select_n3A_227, %select_n3A_228 : vector<16xi1>, vector<16xf32>
      %gt3A_230 = arith.cmpf ogt, %get3A_221, %select_n3A_229 : vector<16xf32>
      %select_n3A_231 = arith.select %gt3A_230, %get3A_97, %get3A_94 : vector<16xi1>, vector<16xf32>
      %select_n3A_232 = arith.select %gt3A_230, %get3A_91, %get3A_88 : vector<16xi1>, vector<16xf32>
      %select_n3A_233 = arith.select %gt3A_226, %select_n3A_231, %select_n3A_232 : vector<16xi1>, vector<16xf32>
      %select_n3A_234 = arith.select %gt3A_230, %get3A_85, %get3A_82 : vector<16xi1>, vector<16xf32>
      %select_n3A_235 = arith.select %gt3A_230, %get3A_79, %get3A_76 : vector<16xi1>, vector<16xf32>
      %select_n3A_236 = arith.select %gt3A_226, %select_n3A_234, %select_n3A_235 : vector<16xi1>, vector<16xf32>
      %select_n3A_237 = arith.select %gt3A, %select_n3A_233, %select_n3A_236 : vector<16xi1>, vector<16xf32>
      %gt3A_238 = arith.cmpf ogt, %get3A_225, %select_n3A_237 : vector<16xf32>
      %jit3A = arith.constant 8 : i32
      %broadcast_in_dim3A = vector.broadcast %jit3A : i32 to vector<16xi32>
      %broadcast_in_dim3A_239 = vector.broadcast %scan3A_99 : i32 to vector<16xi32>
      %select_n3A_240 = arith.select %gt3A, %broadcast_in_dim3A, %broadcast_in_dim3A_239 : vector<16xi1>, vector<16xi32>
      %jit3A_241 = arith.constant 4 : i32
      %broadcast_in_dim3A_242 = vector.broadcast %jit3A_241 : i32 to vector<16xi32>
      %broadcast_in_dim3A_243 = vector.broadcast %scan3A_99 : i32 to vector<16xi32>
      %select_n3A_244 = arith.select %gt3A_226, %broadcast_in_dim3A_242, %broadcast_in_dim3A_243 : vector<16xi1>, vector<16xi32>
      %add3A_245 = arith.addi %select_n3A_240, %select_n3A_244 : vector<16xi32>
      %jit3A_246 = arith.constant 2 : i32
      %broadcast_in_dim3A_247 = vector.broadcast %jit3A_246 : i32 to vector<16xi32>
      %broadcast_in_dim3A_248 = vector.broadcast %scan3A_99 : i32 to vector<16xi32>
      %select_n3A_249 = arith.select %gt3A_230, %broadcast_in_dim3A_247, %broadcast_in_dim3A_248 : vector<16xi1>, vector<16xi32>
      %add3A_250 = arith.addi %add3A_245, %select_n3A_249 : vector<16xi32>
      %jit3A_251 = arith.constant 1 : i32
      %broadcast_in_dim3A_252 = vector.broadcast %jit3A_251 : i32 to vector<16xi32>
      %broadcast_in_dim3A_253 = vector.broadcast %scan3A_99 : i32 to vector<16xi32>
      %select_n3A_254 = arith.select %gt3A_238, %broadcast_in_dim3A_252, %broadcast_in_dim3A_253 : vector<16xi1>, vector<16xi32>
      %add3A_255 = arith.addi %add3A_250, %select_n3A_254 : vector<16xi32>
      %swap3A = arith.index_cast %scan3A_209 : i32 to index
      %swap3A_256 = arith.constant 16 : index
      %swap3A_257 = tpu.vector_load %arg7[%swap3A, %swap3A_256] {strides = array<i32>} : memref<256x128xi32, #tpu.memory_space<vmem>>, vector<1x16xi32>,
      %swap3A_258 = vector.shape_cast %swap3A_257 : vector<1x16xi32> to vector<16xi32>
      %swap3A_259 = vector.shape_cast %add3A_255 : vector<16xi32> to vector<1x16xi32>
      tpu.vector_store %arg7[%swap3A, %swap3A_256], %swap3A_259 {strides = array<i32>} : memref<256x128xi32, #tpu.memory_space<vmem>>, vector<1x16xi32>,
      %swap3A_260 = arith.index_cast %scan3A_209 : i32 to index
      %swap3A_261 = arith.constant 80 : index
      %swap3A_262 = tpu.vector_load %arg7[%swap3A_260, %swap3A_261] {strides = array<i32>} : memref<256x128xi32, #tpu.memory_space<vmem>>, vector<1x16xi32>,
      %swap3A_263 = vector.shape_cast %swap3A_262 : vector<1x16xi32> to vector<16xi32>
      %swap3A_264 = vector.shape_cast %add3A_255 : vector<16xi32> to vector<1x16xi32>
      tpu.vector_store %arg7[%swap3A_260, %swap3A_261], %swap3A_264 {strides = array<i32>} : memref<256x128xi32, #tpu.memory_space<vmem>>, vector<1x16xi32>,
    }
    %scan3A_104 = arith.constant 256 : i32
    %get3A_105 = arith.constant 32 : index
    %get3A_106 = tpu.vector_load %arg6[%get3A_105] {strides = array<i32>} : memref<960xf32, #tpu.memory_space<vmem>>, vector<16xf32>,
    %get3A_107 = vector.shape_cast %get3A_106 : vector<16xf32> to vector<16xf32>
    %get3A_108 = arith.constant 96 : index
    %get3A_109 = tpu.vector_load %arg6[%get3A_108] {strides = array<i32>} : memref<960xf32, #tpu.memory_space<vmem>>, vector<16xf32>,
    %get3A_110 = vector.shape_cast %get3A_109 : vector<16xf32> to vector<16xf32>
    %get3A_111 = arith.constant 160 : index
    %get3A_112 = tpu.vector_load %arg6[%get3A_111] {strides = array<i32>} : memref<960xf32, #tpu.memory_space<vmem>>, vector<16xf32>,
    %get3A_113 = vector.shape_cast %get3A_112 : vector<16xf32> to vector<16xf32>
    %get3A_114 = arith.constant 224 : index
    %get3A_115 = tpu.vector_load %arg6[%get3A_114] {strides = array<i32>} : memref<960xf32, #tpu.memory_space<vmem>>, vector<16xf32>,
    %get3A_116 = vector.shape_cast %get3A_115 : vector<16xf32> to vector<16xf32>
    %get3A_117 = arith.constant 288 : index
    %get3A_118 = tpu.vector_load %arg6[%get3A_117] {strides = array<i32>} : memref<960xf32, #tpu.memory_space<vmem>>, vector<16xf32>,
    %get3A_119 = vector.shape_cast %get3A_118 : vector<16xf32> to vector<16xf32>
    %get3A_120 = arith.constant 352 : index
    %get3A_121 = tpu.vector_load %arg6[%get3A_120] {strides = array<i32>} : memref<960xf32, #tpu.memory_space<vmem>>, vector<16xf32>,
    %get3A_122 = vector.shape_cast %get3A_121 : vector<16xf32> to vector<16xf32>
    %get3A_123 = arith.constant 416 : index
    %get3A_124 = tpu.vector_load %arg6[%get3A_123] {strides = array<i32>} : memref<960xf32, #tpu.memory_space<vmem>>, vector<16xf32>,
    %get3A_125 = vector.shape_cast %get3A_124 : vector<16xf32> to vector<16xf32>
    %get3A_126 = arith.constant 480 : index
    %get3A_127 = tpu.vector_load %arg6[%get3A_126] {strides = array<i32>} : memref<960xf32, #tpu.memory_space<vmem>>, vector<16xf32>,
    %get3A_128 = vector.shape_cast %get3A_127 : vector<16xf32> to vector<16xf32>
    %get3A_129 = arith.constant 544 : index
    %get3A_130 = tpu.vector_load %arg6[%get3A_129] {strides = array<i32>} : memref<960xf32, #tpu.memory_space<vmem>>, vector<16xf32>,
    %get3A_131 = vector.shape_cast %get3A_130 : vector<16xf32> to vector<16xf32>
    %get3A_132 = arith.constant 608 : index
    %get3A_133 = tpu.vector_load %arg6[%get3A_132] {strides = array<i32>} : memref<960xf32, #tpu.memory_space<vmem>>, vector<16xf32>,
    %get3A_134 = vector.shape_cast %get3A_133 : vector<16xf32> to vector<16xf32>
    %get3A_135 = arith.constant 672 : index
    %get3A_136 = tpu.vector_load %arg6[%get3A_135] {strides = array<i32>} : memref<960xf32, #tpu.memory_space<vmem>>, vector<16xf32>,
    %get3A_137 = vector.shape_cast %get3A_136 : vector<16xf32> to vector<16xf32>
    %get3A_138 = arith.constant 736 : index
    %get3A_139 = tpu.vector_load %arg6[%get3A_138] {strides = array<i32>} : memref<960xf32, #tpu.memory_space<vmem>>, vector<16xf32>,
    %get3A_140 = vector.shape_cast %get3A_139 : vector<16xf32> to vector<16xf32>
    %get3A_141 = arith.constant 800 : index
    %get3A_142 = tpu.vector_load %arg6[%get3A_141] {strides = array<i32>} : memref<960xf32, #tpu.memory_space<vmem>>, vector<16xf32>,
    %get3A_143 = vector.shape_cast %get3A_142 : vector<16xf32> to vector<16xf32>
    %get3A_144 = arith.constant 864 : index
    %get3A_145 = tpu.vector_load %arg6[%get3A_144] {strides = array<i32>} : memref<960xf32, #tpu.memory_space<vmem>>, vector<16xf32>,
    %get3A_146 = vector.shape_cast %get3A_145 : vector<16xf32> to vector<16xf32>
    %get3A_147 = arith.constant 928 : index
    %get3A_148 = tpu.vector_load %arg6[%get3A_147] {strides = array<i32>} : memref<960xf32, #tpu.memory_space<vmem>>, vector<16xf32>,
    %get3A_149 = vector.shape_cast %get3A_148 : vector<16xf32> to vector<16xf32>
    %scan3A_150 = arith.constant 0 : i32
    %scan3A_151 = arith.constant 0 : i32
    %scan3A_152 = arith.constant 0 : i32
    %scan3A_153 = arith.constant 256 : i32
    %scan3A_154 = arith.addi %scan3A_152, %scan3A_153 : i32
    %scan3A_155 = arith.constant 1 : i32
    scf.for %scan3A_209 = %scan3A_152 to %scan3A_154 step %scan3A_155  : i32 {
      %get3A_210 = arith.index_cast %scan3A_209 : i32 to index
      %get3A_211 = arith.constant 32 : index
      %get3A_212 = tpu.vector_load %arg5[%get3A_210, %get3A_211] {strides = array<i32>} : memref<256x256xf32, #tpu.memory_space<vmem>>, vector<1x16xf32>,
      %get3A_213 = vector.shape_cast %get3A_212 : vector<1x16xf32> to vector<16xf32>
      %get3A_214 = arith.index_cast %scan3A_209 : i32 to index
      %get3A_215 = arith.constant 96 : index
      %get3A_216 = tpu.vector_load %arg5[%get3A_214, %get3A_215] {strides = array<i32>} : memref<256x256xf32, #tpu.memory_space<vmem>>, vector<1x16xf32>,
      %get3A_217 = vector.shape_cast %get3A_216 : vector<1x16xf32> to vector<16xf32>
      %get3A_218 = arith.index_cast %scan3A_209 : i32 to index
      %get3A_219 = arith.constant 160 : index
      %get3A_220 = tpu.vector_load %arg5[%get3A_218, %get3A_219] {strides = array<i32>} : memref<256x256xf32, #tpu.memory_space<vmem>>, vector<1x16xf32>,
      %get3A_221 = vector.shape_cast %get3A_220 : vector<1x16xf32> to vector<16xf32>
      %get3A_222 = arith.index_cast %scan3A_209 : i32 to index
      %get3A_223 = arith.constant 224 : index
      %get3A_224 = tpu.vector_load %arg5[%get3A_222, %get3A_223] {strides = array<i32>} : memref<256x256xf32, #tpu.memory_space<vmem>>, vector<1x16xf32>,
      %get3A_225 = vector.shape_cast %get3A_224 : vector<1x16xf32> to vector<16xf32>
      %gt3A = arith.cmpf ogt, %get3A_213, %get3A_107 : vector<16xf32>
      %select_n3A = arith.select %gt3A, %get3A_113, %get3A_110 : vector<16xi1>, vector<16xf32>
      %gt3A_226 = arith.cmpf ogt, %get3A_217, %select_n3A : vector<16xf32>
      %select_n3A_227 = arith.select %gt3A_226, %get3A_125, %get3A_122 : vector<16xi1>, vector<16xf32>
      %select_n3A_228 = arith.select %gt3A_226, %get3A_119, %get3A_116 : vector<16xi1>, vector<16xf32>
      %select_n3A_229 = arith.select %gt3A, %select_n3A_227, %select_n3A_228 : vector<16xi1>, vector<16xf32>
      %gt3A_230 = arith.cmpf ogt, %get3A_221, %select_n3A_229 : vector<16xf32>
      %select_n3A_231 = arith.select %gt3A_230, %get3A_149, %get3A_146 : vector<16xi1>, vector<16xf32>
      %select_n3A_232 = arith.select %gt3A_230, %get3A_143, %get3A_140 : vector<16xi1>, vector<16xf32>
      %select_n3A_233 = arith.select %gt3A_226, %select_n3A_231, %select_n3A_232 : vector<16xi1>, vector<16xf32>
      %select_n3A_234 = arith.select %gt3A_230, %get3A_137, %get3A_134 : vector<16xi1>, vector<16xf32>
      %select_n3A_235 = arith.select %gt3A_230, %get3A_131, %get3A_128 : vector<16xi1>, vector<16xf32>
      %select_n3A_236 = arith.select %gt3A_226, %select_n3A_234, %select_n3A_235 : vector<16xi1>, vector<16xf32>
      %select_n3A_237 = arith.select %gt3A, %select_n3A_233, %select_n3A_236 : vector<16xi1>, vector<16xf32>
      %gt3A_238 = arith.cmpf ogt, %get3A_225, %select_n3A_237 : vector<16xf32>
      %jit3A = arith.constant 8 : i32
      %broadcast_in_dim3A = vector.broadcast %jit3A : i32 to vector<16xi32>
      %broadcast_in_dim3A_239 = vector.broadcast %scan3A_151 : i32 to vector<16xi32>
      %select_n3A_240 = arith.select %gt3A, %broadcast_in_dim3A, %broadcast_in_dim3A_239 : vector<16xi1>, vector<16xi32>
      %jit3A_241 = arith.constant 4 : i32
      %broadcast_in_dim3A_242 = vector.broadcast %jit3A_241 : i32 to vector<16xi32>
      %broadcast_in_dim3A_243 = vector.broadcast %scan3A_151 : i32 to vector<16xi32>
      %select_n3A_244 = arith.select %gt3A_226, %broadcast_in_dim3A_242, %broadcast_in_dim3A_243 : vector<16xi1>, vector<16xi32>
      %add3A_245 = arith.addi %select_n3A_240, %select_n3A_244 : vector<16xi32>
      %jit3A_246 = arith.constant 2 : i32
      %broadcast_in_dim3A_247 = vector.broadcast %jit3A_246 : i32 to vector<16xi32>
      %broadcast_in_dim3A_248 = vector.broadcast %scan3A_151 : i32 to vector<16xi32>
      %select_n3A_249 = arith.select %gt3A_230, %broadcast_in_dim3A_247, %broadcast_in_dim3A_248 : vector<16xi1>, vector<16xi32>
      %add3A_250 = arith.addi %add3A_245, %select_n3A_249 : vector<16xi32>
      %jit3A_251 = arith.constant 1 : i32
      %broadcast_in_dim3A_252 = vector.broadcast %jit3A_251 : i32 to vector<16xi32>
      %broadcast_in_dim3A_253 = vector.broadcast %scan3A_151 : i32 to vector<16xi32>
      %select_n3A_254 = arith.select %gt3A_238, %broadcast_in_dim3A_252, %broadcast_in_dim3A_253 : vector<16xi1>, vector<16xi32>
      %add3A_255 = arith.addi %add3A_250, %select_n3A_254 : vector<16xi32>
      %swap3A = arith.index_cast %scan3A_209 : i32 to index
      %swap3A_256 = arith.constant 32 : index
      %swap3A_257 = tpu.vector_load %arg7[%swap3A, %swap3A_256] {strides = array<i32>} : memref<256x128xi32, #tpu.memory_space<vmem>>, vector<1x16xi32>,
      %swap3A_258 = vector.shape_cast %swap3A_257 : vector<1x16xi32> to vector<16xi32>
      %swap3A_259 = vector.shape_cast %add3A_255 : vector<16xi32> to vector<1x16xi32>
      tpu.vector_store %arg7[%swap3A, %swap3A_256], %swap3A_259 {strides = array<i32>} : memref<256x128xi32, #tpu.memory_space<vmem>>, vector<1x16xi32>,
      %swap3A_260 = arith.index_cast %scan3A_209 : i32 to index
      %swap3A_261 = arith.constant 96 : index
      %swap3A_262 = tpu.vector_load %arg7[%swap3A_260, %swap3A_261] {strides = array<i32>} : memref<256x128xi32, #tpu.memory_space<vmem>>, vector<1x16xi32>,
      %swap3A_263 = vector.shape_cast %swap3A_262 : vector<1x16xi32> to vector<16xi32>
      %swap3A_264 = vector.shape_cast %add3A_255 : vector<16xi32> to vector<1x16xi32>
      tpu.vector_store %arg7[%swap3A_260, %swap3A_261], %swap3A_264 {strides = array<i32>} : memref<256x128xi32, #tpu.memory_space<vmem>>, vector<1x16xi32>,
    }
    %scan3A_156 = arith.constant 256 : i32
    %get3A_157 = arith.constant 48 : index
    %get3A_158 = tpu.vector_load %arg6[%get3A_157] {strides = array<i32>} : memref<960xf32, #tpu.memory_space<vmem>>, vector<16xf32>,
    %get3A_159 = vector.shape_cast %get3A_158 : vector<16xf32> to vector<16xf32>
    %get3A_160 = arith.constant 112 : index
    %get3A_161 = tpu.vector_load %arg6[%get3A_160] {strides = array<i32>} : memref<960xf32, #tpu.memory_space<vmem>>, vector<16xf32>,
    %get3A_162 = vector.shape_cast %get3A_161 : vector<16xf32> to vector<16xf32>
    %get3A_163 = arith.constant 176 : index
    %get3A_164 = tpu.vector_load %arg6[%get3A_163] {strides = array<i32>} : memref<960xf32, #tpu.memory_space<vmem>>, vector<16xf32>,
    %get3A_165 = vector.shape_cast %get3A_164 : vector<16xf32> to vector<16xf32>
    %get3A_166 = arith.constant 240 : index
    %get3A_167 = tpu.vector_load %arg6[%get3A_166] {strides = array<i32>} : memref<960xf32, #tpu.memory_space<vmem>>, vector<16xf32>,
    %get3A_168 = vector.shape_cast %get3A_167 : vector<16xf32> to vector<16xf32>
    %get3A_169 = arith.constant 304 : index
    %get3A_170 = tpu.vector_load %arg6[%get3A_169] {strides = array<i32>} : memref<960xf32, #tpu.memory_space<vmem>>, vector<16xf32>,
    %get3A_171 = vector.shape_cast %get3A_170 : vector<16xf32> to vector<16xf32>
    %get3A_172 = arith.constant 368 : index
    %get3A_173 = tpu.vector_load %arg6[%get3A_172] {strides = array<i32>} : memref<960xf32, #tpu.memory_space<vmem>>, vector<16xf32>,
    %get3A_174 = vector.shape_cast %get3A_173 : vector<16xf32> to vector<16xf32>
    %get3A_175 = arith.constant 432 : index
    %get3A_176 = tpu.vector_load %arg6[%get3A_175] {strides = array<i32>} : memref<960xf32, #tpu.memory_space<vmem>>, vector<16xf32>,
    %get3A_177 = vector.shape_cast %get3A_176 : vector<16xf32> to vector<16xf32>
    %get3A_178 = arith.constant 496 : index
    %get3A_179 = tpu.vector_load %arg6[%get3A_178] {strides = array<i32>} : memref<960xf32, #tpu.memory_space<vmem>>, vector<16xf32>,
    %get3A_180 = vector.shape_cast %get3A_179 : vector<16xf32> to vector<16xf32>
    %get3A_181 = arith.constant 560 : index
    %get3A_182 = tpu.vector_load %arg6[%get3A_181] {strides = array<i32>} : memref<960xf32, #tpu.memory_space<vmem>>, vector<16xf32>,
    %get3A_183 = vector.shape_cast %get3A_182 : vector<16xf32> to vector<16xf32>
    %get3A_184 = arith.constant 624 : index
    %get3A_185 = tpu.vector_load %arg6[%get3A_184] {strides = array<i32>} : memref<960xf32, #tpu.memory_space<vmem>>, vector<16xf32>,
    %get3A_186 = vector.shape_cast %get3A_185 : vector<16xf32> to vector<16xf32>
    %get3A_187 = arith.constant 688 : index
    %get3A_188 = tpu.vector_load %arg6[%get3A_187] {strides = array<i32>} : memref<960xf32, #tpu.memory_space<vmem>>, vector<16xf32>,
    %get3A_189 = vector.shape_cast %get3A_188 : vector<16xf32> to vector<16xf32>
    %get3A_190 = arith.constant 752 : index
    %get3A_191 = tpu.vector_load %arg6[%get3A_190] {strides = array<i32>} : memref<960xf32, #tpu.memory_space<vmem>>, vector<16xf32>,
    %get3A_192 = vector.shape_cast %get3A_191 : vector<16xf32> to vector<16xf32>
    %get3A_193 = arith.constant 816 : index
    %get3A_194 = tpu.vector_load %arg6[%get3A_193] {strides = array<i32>} : memref<960xf32, #tpu.memory_space<vmem>>, vector<16xf32>,
    %get3A_195 = vector.shape_cast %get3A_194 : vector<16xf32> to vector<16xf32>
    %get3A_196 = arith.constant 880 : index
    %get3A_197 = tpu.vector_load %arg6[%get3A_196] {strides = array<i32>} : memref<960xf32, #tpu.memory_space<vmem>>, vector<16xf32>,
    %get3A_198 = vector.shape_cast %get3A_197 : vector<16xf32> to vector<16xf32>
    %get3A_199 = arith.constant 944 : index
    %get3A_200 = tpu.vector_load %arg6[%get3A_199] {strides = array<i32>} : memref<960xf32, #tpu.memory_space<vmem>>, vector<16xf32>,
    %get3A_201 = vector.shape_cast %get3A_200 : vector<16xf32> to vector<16xf32>
    %scan3A_202 = arith.constant 0 : i32
    %scan3A_203 = arith.constant 0 : i32
    %scan3A_204 = arith.constant 0 : i32
    %scan3A_205 = arith.constant 256 : i32
    %scan3A_206 = arith.addi %scan3A_204, %scan3A_205 : i32
    %scan3A_207 = arith.constant 1 : i32
    scf.for %scan3A_209 = %scan3A_204 to %scan3A_206 step %scan3A_207  : i32 {
      %get3A_210 = arith.index_cast %scan3A_209 : i32 to index
      %get3A_211 = arith.constant 48 : index
      %get3A_212 = tpu.vector_load %arg5[%get3A_210, %get3A_211] {strides = array<i32>} : memref<256x256xf32, #tpu.memory_space<vmem>>, vector<1x16xf32>,
      %get3A_213 = vector.shape_cast %get3A_212 : vector<1x16xf32> to vector<16xf32>
      %get3A_214 = arith.index_cast %scan3A_209 : i32 to index
      %get3A_215 = arith.constant 112 : index
      %get3A_216 = tpu.vector_load %arg5[%get3A_214, %get3A_215] {strides = array<i32>} : memref<256x256xf32, #tpu.memory_space<vmem>>, vector<1x16xf32>,
      %get3A_217 = vector.shape_cast %get3A_216 : vector<1x16xf32> to vector<16xf32>
      %get3A_218 = arith.index_cast %scan3A_209 : i32 to index
      %get3A_219 = arith.constant 176 : index
      %get3A_220 = tpu.vector_load %arg5[%get3A_218, %get3A_219] {strides = array<i32>} : memref<256x256xf32, #tpu.memory_space<vmem>>, vector<1x16xf32>,
      %get3A_221 = vector.shape_cast %get3A_220 : vector<1x16xf32> to vector<16xf32>
      %get3A_222 = arith.index_cast %scan3A_209 : i32 to index
      %get3A_223 = arith.constant 240 : index
      %get3A_224 = tpu.vector_load %arg5[%get3A_222, %get3A_223] {strides = array<i32>} : memref<256x256xf32, #tpu.memory_space<vmem>>, vector<1x16xf32>,
      %get3A_225 = vector.shape_cast %get3A_224 : vector<1x16xf32> to vector<16xf32>
      %gt3A = arith.cmpf ogt, %get3A_213, %get3A_159 : vector<16xf32>
      %select_n3A = arith.select %gt3A, %get3A_165, %get3A_162 : vector<16xi1>, vector<16xf32>
      %gt3A_226 = arith.cmpf ogt, %get3A_217, %select_n3A : vector<16xf32>
      %select_n3A_227 = arith.select %gt3A_226, %get3A_177, %get3A_174 : vector<16xi1>, vector<16xf32>
      %select_n3A_228 = arith.select %gt3A_226, %get3A_171, %get3A_168 : vector<16xi1>, vector<16xf32>
      %select_n3A_229 = arith.select %gt3A, %select_n3A_227, %select_n3A_228 : vector<16xi1>, vector<16xf32>
      %gt3A_230 = arith.cmpf ogt, %get3A_221, %select_n3A_229 : vector<16xf32>
      %select_n3A_231 = arith.select %gt3A_230, %get3A_201, %get3A_198 : vector<16xi1>, vector<16xf32>
      %select_n3A_232 = arith.select %gt3A_230, %get3A_195, %get3A_192 : vector<16xi1>, vector<16xf32>
      %select_n3A_233 = arith.select %gt3A_226, %select_n3A_231, %select_n3A_232 : vector<16xi1>, vector<16xf32>
      %select_n3A_234 = arith.select %gt3A_230, %get3A_189, %get3A_186 : vector<16xi1>, vector<16xf32>
      %select_n3A_235 = arith.select %gt3A_230, %get3A_183, %get3A_180 : vector<16xi1>, vector<16xf32>
      %select_n3A_236 = arith.select %gt3A_226, %select_n3A_234, %select_n3A_235 : vector<16xi1>, vector<16xf32>
      %select_n3A_237 = arith.select %gt3A, %select_n3A_233, %select_n3A_236 : vector<16xi1>, vector<16xf32>
      %gt3A_238 = arith.cmpf ogt, %get3A_225, %select_n3A_237 : vector<16xf32>
      %jit3A = arith.constant 8 : i32
      %broadcast_in_dim3A = vector.broadcast %jit3A : i32 to vector<16xi32>
      %broadcast_in_dim3A_239 = vector.broadcast %scan3A_203 : i32 to vector<16xi32>
      %select_n3A_240 = arith.select %gt3A, %broadcast_in_dim3A, %broadcast_in_dim3A_239 : vector<16xi1>, vector<16xi32>
      %jit3A_241 = arith.constant 4 : i32
      %broadcast_in_dim3A_242 = vector.broadcast %jit3A_241 : i32 to vector<16xi32>
      %broadcast_in_dim3A_243 = vector.broadcast %scan3A_203 : i32 to vector<16xi32>
      %select_n3A_244 = arith.select %gt3A_226, %broadcast_in_dim3A_242, %broadcast_in_dim3A_243 : vector<16xi1>, vector<16xi32>
      %add3A_245 = arith.addi %select_n3A_240, %select_n3A_244 : vector<16xi32>
      %jit3A_246 = arith.constant 2 : i32
      %broadcast_in_dim3A_247 = vector.broadcast %jit3A_246 : i32 to vector<16xi32>
      %broadcast_in_dim3A_248 = vector.broadcast %scan3A_203 : i32 to vector<16xi32>
      %select_n3A_249 = arith.select %gt3A_230, %broadcast_in_dim3A_247, %broadcast_in_dim3A_248 : vector<16xi1>, vector<16xi32>
      %add3A_250 = arith.addi %add3A_245, %select_n3A_249 : vector<16xi32>
      %jit3A_251 = arith.constant 1 : i32
      %broadcast_in_dim3A_252 = vector.broadcast %jit3A_251 : i32 to vector<16xi32>
      %broadcast_in_dim3A_253 = vector.broadcast %scan3A_203 : i32 to vector<16xi32>
      %select_n3A_254 = arith.select %gt3A_238, %broadcast_in_dim3A_252, %broadcast_in_dim3A_253 : vector<16xi1>, vector<16xi32>
      %add3A_255 = arith.addi %add3A_250, %select_n3A_254 : vector<16xi32>
      %swap3A = arith.index_cast %scan3A_209 : i32 to index
      %swap3A_256 = arith.constant 48 : index
      %swap3A_257 = tpu.vector_load %arg7[%swap3A, %swap3A_256] {strides = array<i32>} : memref<256x128xi32, #tpu.memory_space<vmem>>, vector<1x16xi32>,
      %swap3A_258 = vector.shape_cast %swap3A_257 : vector<1x16xi32> to vector<16xi32>
      %swap3A_259 = vector.shape_cast %add3A_255 : vector<16xi32> to vector<1x16xi32>
      tpu.vector_store %arg7[%swap3A, %swap3A_256], %swap3A_259 {strides = array<i32>} : memref<256x128xi32, #tpu.memory_space<vmem>>, vector<1x16xi32>,
      %swap3A_260 = arith.index_cast %scan3A_209 : i32 to index
      %swap3A_261 = arith.constant 112 : index
      %swap3A_262 = tpu.vector_load %arg7[%swap3A_260, %swap3A_261] {strides = array<i32>} : memref<256x128xi32, #tpu.memory_space<vmem>>, vector<1x16xi32>,
      %swap3A_263 = vector.shape_cast %swap3A_262 : vector<1x16xi32> to vector<16xi32>
      %swap3A_264 = vector.shape_cast %add3A_255 : vector<16xi32> to vector<1x16xi32>
      tpu.vector_store %arg7[%swap3A_260, %swap3A_261], %swap3A_264 {strides = array<i32>} : memref<256x128xi32, #tpu.memory_space<vmem>>, vector<1x16xi32>,
    }
    %scan3A_208 = arith.constant 256 : i32
    "tpu.region"() ({
      %run_scoped3A = tpu.sem_alloc : memref<!tpu.dma_semaphore, #tpu.memory_space<semaphore_mem>>
      %dma_start3A = arith.constant 0 : i32
      %dma_start3A_209 = tpu.memref_slice %arg4[%mul3A_2, %dma_start3A] : memref<8192x128xi32, #tpu.memory_space<hbm>> -> memref<256x128xi32, #tpu.memory_space<hbm>>
      %dma_start3A_210 = arith.constant 0 : i32
      %dma_start3A_211 = tpu.memref_slice %arg4[%mul3A_2, %dma_start3A_210] : memref<8192x128xi32, #tpu.memory_space<hbm>> -> memref<256x128xi32, #tpu.memory_space<hbm>>
      tpu.enqueue_dma source(%arg7 : memref<256x128xi32, #tpu.memory_space<vmem>>) target(%dma_start3A_211 : memref<256x128xi32, #tpu.memory_space<hbm>>) target_semaphore(%run_scoped3A : memref<!tpu.dma_semaphore, #tpu.memory_space<semaphore_mem>>)
      %dma_wait3A = arith.constant 0 : i32
      %dma_wait3A_212 = tpu.memref_slice %arg4[%mul3A_2, %dma_wait3A] : memref<8192x128xi32, #tpu.memory_space<hbm>> -> memref<256x128xi32, #tpu.memory_space<hbm>>
      %dma_wait3A_213 = arith.constant 0 : i32
      %dma_wait3A_214 = tpu.memref_slice %arg4[%mul3A_2, %dma_wait3A_213] : memref<8192x128xi32, #tpu.memory_space<hbm>> -> memref<256x128xi32, #tpu.memory_space<hbm>>
      tpu.wait_dma2 semaphore(%run_scoped3A : memref<!tpu.dma_semaphore, #tpu.memory_space<semaphore_mem>>) src(%arg7 : memref<256x128xi32, #tpu.memory_space<vmem>>) dst(%dma_wait3A_214 : memref<256x128xi32, #tpu.memory_space<hbm>>)
      tpu.yield
    }) : () -> ()
    return
  }
}

module attributes {stable_mosaic.version = 14 : i64} {
  func.func @_proj_body(%arg0: i32, %arg1: memref<2048x512xf32, #tpu.memory_space<vmem>>, %arg2: memref<512x256xbf16, #tpu.memory_space<vmem>>, %arg3: memref<2048x256xf32, #tpu.memory_space<vmem>>) attributes {dimension_semantics = [#tpu.dimension_semantics<arbitrary>], iteration_bounds = array<i64: 4>, scalar_prefetch = 0 : i64, scratch_operands = 0 : i64, tpu.core_type = #tpu.core_type<tc>, window_params = [{transform_indices = @transform_0, window_bounds = array<i64: 2048, 512>}, {pipeline_mode = #tpu.pipeline_mode<synchronous>, transform_indices = @transform_1, window_bounds = array<i64: 512, 256>}, {transform_indices = @transform_2, window_bounds = array<i64: 2048, 256>}]} {
    %get3A = arith.constant 0 : index
    %get3A_0 = arith.constant 0 : index
    %get3A_1 = vector.load %arg1[%get3A, %get3A_0] : memref<2048x512xf32, #tpu.memory_space<vmem>>, vector<256x512xf32>
    %convert_element_type3A = arith.truncf %get3A_1 : vector<256x512xf32> to vector<256x512xbf16>
    %get3A_2 = arith.constant 0 : index
    %get3A_3 = arith.constant 0 : index
    %get3A_4 = vector.load %arg2[%get3A_2, %get3A_3] : memref<512x256xbf16, #tpu.memory_space<vmem>>, vector<512x256xbf16>
    %dot_general3A = arith.constant dense<0.000000e+00> : vector<256x256xf32>
    %dot_general3A_5 = tpu.matmul %convert_element_type3A, %get3A_4, %dot_general3A {dimension_numbers = #tpu.dot_dimension_numbers<[1], [0], [0], [1], [0, 0, 1, 1], [], []>, transpose_lhs_hint = false} : vector<256x512xbf16>, vector<512x256xbf16>, vector<256x256xf32> -> vector<256x256xf32>
    %convert_element_type3A_6 = arith.truncf %dot_general3A_5 : vector<256x256xf32> to vector<256x256xbf16>
    %convert_element_type3A_7 = arith.extf %convert_element_type3A_6 : vector<256x256xbf16> to vector<256x256xf32>
    %swap3A = arith.constant 0 : index
    %swap3A_8 = arith.constant 0 : index
    %swap3A_9 = vector.load %arg3[%swap3A, %swap3A_8] : memref<2048x256xf32, #tpu.memory_space<vmem>>, vector<256x256xf32>
    tpu.vector_store %arg3[%swap3A, %swap3A_8], %convert_element_type3A_7 {strides = array<i32>} : memref<2048x256xf32, #tpu.memory_space<vmem>>, vector<256x256xf32>,
    %get3A_10 = arith.constant 256 : index
    %get3A_11 = arith.constant 0 : index
    %get3A_12 = vector.load %arg1[%get3A_10, %get3A_11] : memref<2048x512xf32, #tpu.memory_space<vmem>>, vector<256x512xf32>
    %convert_element_type3A_13 = arith.truncf %get3A_12 : vector<256x512xf32> to vector<256x512xbf16>
    %get3A_14 = arith.constant 0 : index
    %get3A_15 = arith.constant 0 : index
    %get3A_16 = vector.load %arg2[%get3A_14, %get3A_15] : memref<512x256xbf16, #tpu.memory_space<vmem>>, vector<512x256xbf16>
    %dot_general3A_17 = arith.constant dense<0.000000e+00> : vector<256x256xf32>
    %dot_general3A_18 = tpu.matmul %convert_element_type3A_13, %get3A_16, %dot_general3A_17 {dimension_numbers = #tpu.dot_dimension_numbers<[1], [0], [0], [1], [0, 0, 1, 1], [], []>, transpose_lhs_hint = false} : vector<256x512xbf16>, vector<512x256xbf16>, vector<256x256xf32> -> vector<256x256xf32>
    %convert_element_type3A_19 = arith.truncf %dot_general3A_18 : vector<256x256xf32> to vector<256x256xbf16>
    %convert_element_type3A_20 = arith.extf %convert_element_type3A_19 : vector<256x256xbf16> to vector<256x256xf32>
    %swap3A_21 = arith.constant 256 : index
    %swap3A_22 = arith.constant 0 : index
    %swap3A_23 = vector.load %arg3[%swap3A_21, %swap3A_22] : memref<2048x256xf32, #tpu.memory_space<vmem>>, vector<256x256xf32>
    tpu.vector_store %arg3[%swap3A_21, %swap3A_22], %convert_element_type3A_20 {strides = array<i32>} : memref<2048x256xf32, #tpu.memory_space<vmem>>, vector<256x256xf32>,
    %get3A_24 = arith.constant 512 : index
    %get3A_25 = arith.constant 0 : index
    %get3A_26 = vector.load %arg1[%get3A_24, %get3A_25] : memref<2048x512xf32, #tpu.memory_space<vmem>>, vector<256x512xf32>
    %convert_element_type3A_27 = arith.truncf %get3A_26 : vector<256x512xf32> to vector<256x512xbf16>
    %get3A_28 = arith.constant 0 : index
    %get3A_29 = arith.constant 0 : index
    %get3A_30 = vector.load %arg2[%get3A_28, %get3A_29] : memref<512x256xbf16, #tpu.memory_space<vmem>>, vector<512x256xbf16>
    %dot_general3A_31 = arith.constant dense<0.000000e+00> : vector<256x256xf32>
    %dot_general3A_32 = tpu.matmul %convert_element_type3A_27, %get3A_30, %dot_general3A_31 {dimension_numbers = #tpu.dot_dimension_numbers<[1], [0], [0], [1], [0, 0, 1, 1], [], []>, transpose_lhs_hint = false} : vector<256x512xbf16>, vector<512x256xbf16>, vector<256x256xf32> -> vector<256x256xf32>
    %convert_element_type3A_33 = arith.truncf %dot_general3A_32 : vector<256x256xf32> to vector<256x256xbf16>
    %convert_element_type3A_34 = arith.extf %convert_element_type3A_33 : vector<256x256xbf16> to vector<256x256xf32>
    %swap3A_35 = arith.constant 512 : index
    %swap3A_36 = arith.constant 0 : index
    %swap3A_37 = vector.load %arg3[%swap3A_35, %swap3A_36] : memref<2048x256xf32, #tpu.memory_space<vmem>>, vector<256x256xf32>
    tpu.vector_store %arg3[%swap3A_35, %swap3A_36], %convert_element_type3A_34 {strides = array<i32>} : memref<2048x256xf32, #tpu.memory_space<vmem>>, vector<256x256xf32>,
    %get3A_38 = arith.constant 768 : index
    %get3A_39 = arith.constant 0 : index
    %get3A_40 = vector.load %arg1[%get3A_38, %get3A_39] : memref<2048x512xf32, #tpu.memory_space<vmem>>, vector<256x512xf32>
    %convert_element_type3A_41 = arith.truncf %get3A_40 : vector<256x512xf32> to vector<256x512xbf16>
    %get3A_42 = arith.constant 0 : index
    %get3A_43 = arith.constant 0 : index
    %get3A_44 = vector.load %arg2[%get3A_42, %get3A_43] : memref<512x256xbf16, #tpu.memory_space<vmem>>, vector<512x256xbf16>
    %dot_general3A_45 = arith.constant dense<0.000000e+00> : vector<256x256xf32>
    %dot_general3A_46 = tpu.matmul %convert_element_type3A_41, %get3A_44, %dot_general3A_45 {dimension_numbers = #tpu.dot_dimension_numbers<[1], [0], [0], [1], [0, 0, 1, 1], [], []>, transpose_lhs_hint = false} : vector<256x512xbf16>, vector<512x256xbf16>, vector<256x256xf32> -> vector<256x256xf32>
    %convert_element_type3A_47 = arith.truncf %dot_general3A_46 : vector<256x256xf32> to vector<256x256xbf16>
    %convert_element_type3A_48 = arith.extf %convert_element_type3A_47 : vector<256x256xbf16> to vector<256x256xf32>
    %swap3A_49 = arith.constant 768 : index
    %swap3A_50 = arith.constant 0 : index
    %swap3A_51 = vector.load %arg3[%swap3A_49, %swap3A_50] : memref<2048x256xf32, #tpu.memory_space<vmem>>, vector<256x256xf32>
    tpu.vector_store %arg3[%swap3A_49, %swap3A_50], %convert_element_type3A_48 {strides = array<i32>} : memref<2048x256xf32, #tpu.memory_space<vmem>>, vector<256x256xf32>,
    %get3A_52 = arith.constant 1024 : index
    %get3A_53 = arith.constant 0 : index
    %get3A_54 = vector.load %arg1[%get3A_52, %get3A_53] : memref<2048x512xf32, #tpu.memory_space<vmem>>, vector<256x512xf32>
    %convert_element_type3A_55 = arith.truncf %get3A_54 : vector<256x512xf32> to vector<256x512xbf16>
    %get3A_56 = arith.constant 0 : index
    %get3A_57 = arith.constant 0 : index
    %get3A_58 = vector.load %arg2[%get3A_56, %get3A_57] : memref<512x256xbf16, #tpu.memory_space<vmem>>, vector<512x256xbf16>
    %dot_general3A_59 = arith.constant dense<0.000000e+00> : vector<256x256xf32>
    %dot_general3A_60 = tpu.matmul %convert_element_type3A_55, %get3A_58, %dot_general3A_59 {dimension_numbers = #tpu.dot_dimension_numbers<[1], [0], [0], [1], [0, 0, 1, 1], [], []>, transpose_lhs_hint = false} : vector<256x512xbf16>, vector<512x256xbf16>, vector<256x256xf32> -> vector<256x256xf32>
    %convert_element_type3A_61 = arith.truncf %dot_general3A_60 : vector<256x256xf32> to vector<256x256xbf16>
    %convert_element_type3A_62 = arith.extf %convert_element_type3A_61 : vector<256x256xbf16> to vector<256x256xf32>
    %swap3A_63 = arith.constant 1024 : index
    %swap3A_64 = arith.constant 0 : index
    %swap3A_65 = vector.load %arg3[%swap3A_63, %swap3A_64] : memref<2048x256xf32, #tpu.memory_space<vmem>>, vector<256x256xf32>
    tpu.vector_store %arg3[%swap3A_63, %swap3A_64], %convert_element_type3A_62 {strides = array<i32>} : memref<2048x256xf32, #tpu.memory_space<vmem>>, vector<256x256xf32>,
    %get3A_66 = arith.constant 1280 : index
    %get3A_67 = arith.constant 0 : index
    %get3A_68 = vector.load %arg1[%get3A_66, %get3A_67] : memref<2048x512xf32, #tpu.memory_space<vmem>>, vector<256x512xf32>
    %convert_element_type3A_69 = arith.truncf %get3A_68 : vector<256x512xf32> to vector<256x512xbf16>
    %get3A_70 = arith.constant 0 : index
    %get3A_71 = arith.constant 0 : index
    %get3A_72 = vector.load %arg2[%get3A_70, %get3A_71] : memref<512x256xbf16, #tpu.memory_space<vmem>>, vector<512x256xbf16>
    %dot_general3A_73 = arith.constant dense<0.000000e+00> : vector<256x256xf32>
    %dot_general3A_74 = tpu.matmul %convert_element_type3A_69, %get3A_72, %dot_general3A_73 {dimension_numbers = #tpu.dot_dimension_numbers<[1], [0], [0], [1], [0, 0, 1, 1], [], []>, transpose_lhs_hint = false} : vector<256x512xbf16>, vector<512x256xbf16>, vector<256x256xf32> -> vector<256x256xf32>
    %convert_element_type3A_75 = arith.truncf %dot_general3A_74 : vector<256x256xf32> to vector<256x256xbf16>
    %convert_element_type3A_76 = arith.extf %convert_element_type3A_75 : vector<256x256xbf16> to vector<256x256xf32>
    %swap3A_77 = arith.constant 1280 : index
    %swap3A_78 = arith.constant 0 : index
    %swap3A_79 = vector.load %arg3[%swap3A_77, %swap3A_78] : memref<2048x256xf32, #tpu.memory_space<vmem>>, vector<256x256xf32>
    tpu.vector_store %arg3[%swap3A_77, %swap3A_78], %convert_element_type3A_76 {strides = array<i32>} : memref<2048x256xf32, #tpu.memory_space<vmem>>, vector<256x256xf32>,
    %get3A_80 = arith.constant 1536 : index
    %get3A_81 = arith.constant 0 : index
    %get3A_82 = vector.load %arg1[%get3A_80, %get3A_81] : memref<2048x512xf32, #tpu.memory_space<vmem>>, vector<256x512xf32>
    %convert_element_type3A_83 = arith.truncf %get3A_82 : vector<256x512xf32> to vector<256x512xbf16>
    %get3A_84 = arith.constant 0 : index
    %get3A_85 = arith.constant 0 : index
    %get3A_86 = vector.load %arg2[%get3A_84, %get3A_85] : memref<512x256xbf16, #tpu.memory_space<vmem>>, vector<512x256xbf16>
    %dot_general3A_87 = arith.constant dense<0.000000e+00> : vector<256x256xf32>
    %dot_general3A_88 = tpu.matmul %convert_element_type3A_83, %get3A_86, %dot_general3A_87 {dimension_numbers = #tpu.dot_dimension_numbers<[1], [0], [0], [1], [0, 0, 1, 1], [], []>, transpose_lhs_hint = false} : vector<256x512xbf16>, vector<512x256xbf16>, vector<256x256xf32> -> vector<256x256xf32>
    %convert_element_type3A_89 = arith.truncf %dot_general3A_88 : vector<256x256xf32> to vector<256x256xbf16>
    %convert_element_type3A_90 = arith.extf %convert_element_type3A_89 : vector<256x256xbf16> to vector<256x256xf32>
    %swap3A_91 = arith.constant 1536 : index
    %swap3A_92 = arith.constant 0 : index
    %swap3A_93 = vector.load %arg3[%swap3A_91, %swap3A_92] : memref<2048x256xf32, #tpu.memory_space<vmem>>, vector<256x256xf32>
    tpu.vector_store %arg3[%swap3A_91, %swap3A_92], %convert_element_type3A_90 {strides = array<i32>} : memref<2048x256xf32, #tpu.memory_space<vmem>>, vector<256x256xf32>,
    %get3A_94 = arith.constant 1792 : index
    %get3A_95 = arith.constant 0 : index
    %get3A_96 = vector.load %arg1[%get3A_94, %get3A_95] : memref<2048x512xf32, #tpu.memory_space<vmem>>, vector<256x512xf32>
    %convert_element_type3A_97 = arith.truncf %get3A_96 : vector<256x512xf32> to vector<256x512xbf16>
    %get3A_98 = arith.constant 0 : index
    %get3A_99 = arith.constant 0 : index
    %get3A_100 = vector.load %arg2[%get3A_98, %get3A_99] : memref<512x256xbf16, #tpu.memory_space<vmem>>, vector<512x256xbf16>
    %dot_general3A_101 = arith.constant dense<0.000000e+00> : vector<256x256xf32>
    %dot_general3A_102 = tpu.matmul %convert_element_type3A_97, %get3A_100, %dot_general3A_101 {dimension_numbers = #tpu.dot_dimension_numbers<[1], [0], [0], [1], [0, 0, 1, 1], [], []>, transpose_lhs_hint = false} : vector<256x512xbf16>, vector<512x256xbf16>, vector<256x256xf32> -> vector<256x256xf32>
    %convert_element_type3A_103 = arith.truncf %dot_general3A_102 : vector<256x256xf32> to vector<256x256xbf16>
    %convert_element_type3A_104 = arith.extf %convert_element_type3A_103 : vector<256x256xbf16> to vector<256x256xf32>
    %swap3A_105 = arith.constant 1792 : index
    %swap3A_106 = arith.constant 0 : index
    %swap3A_107 = vector.load %arg3[%swap3A_105, %swap3A_106] : memref<2048x256xf32, #tpu.memory_space<vmem>>, vector<256x256xf32>
    tpu.vector_store %arg3[%swap3A_105, %swap3A_106], %convert_element_type3A_104 {strides = array<i32>} : memref<2048x256xf32, #tpu.memory_space<vmem>>, vector<256x256xf32>,
    return
  }
  func.func @transform_0(%arg0: i32) -> (i32, i32) {
    %c0_i32 = arith.constant 0 : i32
    %c0_i32_0 = arith.constant 0 : i32
    return %arg0, %c0_i32 : i32, i32
  }
  func.func @transform_1(%arg0: i32) -> (i32, i32) {
    %c0_i32 = arith.constant 0 : i32
    %c0_i32_0 = arith.constant 0 : i32
    %c0_i32_1 = arith.constant 0 : i32
    return %c0_i32, %c0_i32_0 : i32, i32
  }
  func.func @transform_2(%arg0: i32) -> (i32, i32) {
    %c0_i32 = arith.constant 0 : i32
    %c0_i32_0 = arith.constant 0 : i32
    return %arg0, %c0_i32 : i32, i32
  }
}

module attributes {stable_mosaic.version = 14 : i64} {
  func.func @_mm_body(%arg0: i32, %arg1: memref<2048x128xi32, #tpu.memory_space<vmem>>, %arg2: memref<1024x512xbf16, #tpu.memory_space<vmem>>, %arg3: memref<2048x512xf32, #tpu.memory_space<vmem>>) attributes {dimension_semantics = [#tpu.dimension_semantics<arbitrary>], iteration_bounds = array<i64: 4>, scalar_prefetch = 0 : i64, scratch_operands = 0 : i64, tpu.core_type = #tpu.core_type<tc>, window_params = [{transform_indices = @transform_0, window_bounds = array<i64: 2048, 128>}, {pipeline_mode = #tpu.pipeline_mode<synchronous>, transform_indices = @transform_1, window_bounds = array<i64: 1024, 512>}, {transform_indices = @transform_2, window_bounds = array<i64: 2048, 512>}]} {
    %get3A = arith.constant 0 : index
    %get3A_0 = arith.constant 0 : index
    %get3A_1 = vector.load %arg2[%get3A, %get3A_0] : memref<1024x512xbf16, #tpu.memory_space<vmem>>, vector<1024x512xbf16>
    %get3A_2 = arith.constant 0 : index
    %get3A_3 = arith.constant 0 : index
    %get3A_4 = vector.load %arg1[%get3A_2, %get3A_3] : memref<2048x128xi32, #tpu.memory_space<vmem>>, vector<256x128xi32>
    %and3A = arith.constant 8 : i32
    %and3A_5 = vector.broadcast %and3A : i32 to vector<256x128xi32>
    %and3A_6 = arith.andi %get3A_4, %and3A_5 : vector<256x128xi32>
    %gt3A = arith.constant 0 : i32
    %gt3A_7 = vector.broadcast %gt3A : i32 to vector<256x128xi32>
    %gt3A_8 = arith.cmpi sgt, %and3A_6, %gt3A_7 : vector<256x128xi32>
    %and3A_9 = arith.constant 4 : i32
    %and3A_10 = vector.broadcast %and3A_9 : i32 to vector<256x128xi32>
    %and3A_11 = arith.andi %get3A_4, %and3A_10 : vector<256x128xi32>
    %gt3A_12 = arith.constant 0 : i32
    %gt3A_13 = vector.broadcast %gt3A_12 : i32 to vector<256x128xi32>
    %gt3A_14 = arith.cmpi sgt, %and3A_11, %gt3A_13 : vector<256x128xi32>
    %and3A_15 = arith.constant 2 : i32
    %and3A_16 = vector.broadcast %and3A_15 : i32 to vector<256x128xi32>
    %and3A_17 = arith.andi %get3A_4, %and3A_16 : vector<256x128xi32>
    %gt3A_18 = arith.constant 0 : i32
    %gt3A_19 = vector.broadcast %gt3A_18 : i32 to vector<256x128xi32>
    %gt3A_20 = arith.cmpi sgt, %and3A_17, %gt3A_19 : vector<256x128xi32>
    %and3A_21 = arith.constant 1 : i32
    %and3A_22 = vector.broadcast %and3A_21 : i32 to vector<256x128xi32>
    %and3A_23 = arith.andi %get3A_4, %and3A_22 : vector<256x128xi32>
    %gt3A_24 = arith.constant 0 : i32
    %gt3A_25 = vector.broadcast %gt3A_24 : i32 to vector<256x128xi32>
    %gt3A_26 = arith.cmpi sgt, %and3A_23, %gt3A_25 : vector<256x128xi32>
    %jit3A = arith.constant 1.000000e+00 : f32
    %jit3A_27 = arith.constant -1.000000e+00 : f32
    %broadcast_in_dim3A = vector.broadcast %jit3A : f32 to vector<256x128xf32>
    %broadcast_in_dim3A_28 = vector.broadcast %jit3A_27 : f32 to vector<256x128xf32>
    %select_n3A = arith.select %gt3A_14, %broadcast_in_dim3A, %broadcast_in_dim3A_28 : vector<256x128xi1>, vector<256x128xf32>
    %jit3A_29 = arith.constant 1.000000e+00 : f32
    %jit3A_30 = arith.constant -1.000000e+00 : f32
    %broadcast_in_dim3A_31 = vector.broadcast %jit3A_29 : f32 to vector<256x128xf32>
    %broadcast_in_dim3A_32 = vector.broadcast %jit3A_30 : f32 to vector<256x128xf32>
    %select_n3A_33 = arith.select %gt3A_20, %broadcast_in_dim3A_31, %broadcast_in_dim3A_32 : vector<256x128xi1>, vector<256x128xf32>
    %jit3A_34 = arith.constant 1.000000e+00 : f32
    %jit3A_35 = arith.constant -1.000000e+00 : f32
    %broadcast_in_dim3A_36 = vector.broadcast %jit3A_34 : f32 to vector<256x128xf32>
    %broadcast_in_dim3A_37 = vector.broadcast %jit3A_35 : f32 to vector<256x128xf32>
    %select_n3A_38 = arith.select %gt3A_26, %broadcast_in_dim3A_36, %broadcast_in_dim3A_37 : vector<256x128xi1>, vector<256x128xf32>
    %iota3A = tpu.iota {dimensions = array<i32: 1>} : vector<256x128xi32>
    %lt3A = arith.constant 64 : i32
    %lt3A_39 = vector.broadcast %lt3A : i32 to vector<256x128xi32>
    %lt3A_40 = arith.cmpi slt, %iota3A, %lt3A_39 : vector<256x128xi32>
    %or3A = arith.ori %lt3A_40, %gt3A_8 : vector<256x128xi1>
    %jit3A_41 = arith.constant 1.000000e+00 : f32
    %jit3A_42 = arith.constant -1.000000e+00 : f32
    %broadcast_in_dim3A_43 = vector.broadcast %jit3A_41 : f32 to vector<256x128xf32>
    %broadcast_in_dim3A_44 = vector.broadcast %jit3A_42 : f32 to vector<256x128xf32>
    %select_n3A_45 = arith.select %or3A, %broadcast_in_dim3A_43, %broadcast_in_dim3A_44 : vector<256x128xi1>, vector<256x128xf32>
    %mul3A = arith.mulf %select_n3A, %select_n3A_33 : vector<256x128xf32>
    %mul3A_46 = arith.mulf %select_n3A, %select_n3A_38 : vector<256x128xf32>
    %mul3A_47 = arith.mulf %select_n3A_33, %select_n3A_38 : vector<256x128xf32>
    %mul3A_48 = arith.mulf %mul3A, %select_n3A_38 : vector<256x128xf32>
    %mul3A_49 = arith.mulf %select_n3A, %select_n3A_45 : vector<256x128xf32>
    %mul3A_50 = arith.mulf %select_n3A_33, %select_n3A_45 : vector<256x128xf32>
    %mul3A_51 = arith.mulf %mul3A, %select_n3A_45 : vector<256x128xf32>
    %mul3A_52 = arith.mulf %select_n3A_38, %select_n3A_45 : vector<256x128xf32>
    %mul3A_53 = arith.mulf %mul3A_46, %select_n3A_45 : vector<256x128xf32>
    %mul3A_54 = arith.mulf %mul3A_47, %select_n3A_45 : vector<256x128xf32>
    %mul3A_55 = arith.mulf %mul3A_48, %select_n3A_45 : vector<256x128xf32>
    %convert_element_type3A = arith.truncf %select_n3A_45 : vector<256x128xf32> to vector<256x128xbf16>
    %convert_element_type3A_56 = arith.truncf %mul3A_49 : vector<256x128xf32> to vector<256x128xbf16>
    %convert_element_type3A_57 = arith.truncf %mul3A_50 : vector<256x128xf32> to vector<256x128xbf16>
    %convert_element_type3A_58 = arith.truncf %mul3A_51 : vector<256x128xf32> to vector<256x128xbf16>
    %convert_element_type3A_59 = arith.truncf %mul3A_52 : vector<256x128xf32> to vector<256x128xbf16>
    %convert_element_type3A_60 = arith.truncf %mul3A_53 : vector<256x128xf32> to vector<256x128xbf16>
    %convert_element_type3A_61 = arith.truncf %mul3A_54 : vector<256x128xf32> to vector<256x128xbf16>
    %convert_element_type3A_62 = arith.truncf %mul3A_55 : vector<256x128xf32> to vector<256x128xbf16>
    %concatenate3A = tpu.concatenate %convert_element_type3A, %convert_element_type3A_56, %convert_element_type3A_57, %convert_element_type3A_58, %convert_element_type3A_59, %convert_element_type3A_60, %convert_element_type3A_61, %convert_element_type3A_62 in 1 : vector<256x128xbf16>, vector<256x128xbf16>, vector<256x128xbf16>, vector<256x128xbf16>, vector<256x128xbf16>, vector<256x128xbf16>, vector<256x128xbf16>, vector<256x128xbf16> -> vector<256x1024xbf16>
    %dot_general3A = arith.constant dense<0.000000e+00> : vector<256x512xf32>
    %dot_general3A_63 = tpu.matmul %concatenate3A, %get3A_1, %dot_general3A {dimension_numbers = #tpu.dot_dimension_numbers<[1], [0], [0], [1], [0, 0, 1, 1], [], []>, transpose_lhs_hint = false} : vector<256x1024xbf16>, vector<1024x512xbf16>, vector<256x512xf32> -> vector<256x512xf32>
    %swap3A = arith.constant 0 : index
    %swap3A_64 = arith.constant 0 : index
    %swap3A_65 = vector.load %arg3[%swap3A, %swap3A_64] : memref<2048x512xf32, #tpu.memory_space<vmem>>, vector<256x512xf32>
    tpu.vector_store %arg3[%swap3A, %swap3A_64], %dot_general3A_63 {strides = array<i32>} : memref<2048x512xf32, #tpu.memory_space<vmem>>, vector<256x512xf32>,
    %get3A_66 = arith.constant 256 : index
    %get3A_67 = arith.constant 0 : index
    %get3A_68 = vector.load %arg1[%get3A_66, %get3A_67] : memref<2048x128xi32, #tpu.memory_space<vmem>>, vector<256x128xi32>
    %and3A_69 = arith.constant 8 : i32
    %and3A_70 = vector.broadcast %and3A_69 : i32 to vector<256x128xi32>
    %and3A_71 = arith.andi %get3A_68, %and3A_70 : vector<256x128xi32>
    %gt3A_72 = arith.constant 0 : i32
    %gt3A_73 = vector.broadcast %gt3A_72 : i32 to vector<256x128xi32>
    %gt3A_74 = arith.cmpi sgt, %and3A_71, %gt3A_73 : vector<256x128xi32>
    %and3A_75 = arith.constant 4 : i32
    %and3A_76 = vector.broadcast %and3A_75 : i32 to vector<256x128xi32>
    %and3A_77 = arith.andi %get3A_68, %and3A_76 : vector<256x128xi32>
    %gt3A_78 = arith.constant 0 : i32
    %gt3A_79 = vector.broadcast %gt3A_78 : i32 to vector<256x128xi32>
    %gt3A_80 = arith.cmpi sgt, %and3A_77, %gt3A_79 : vector<256x128xi32>
    %and3A_81 = arith.constant 2 : i32
    %and3A_82 = vector.broadcast %and3A_81 : i32 to vector<256x128xi32>
    %and3A_83 = arith.andi %get3A_68, %and3A_82 : vector<256x128xi32>
    %gt3A_84 = arith.constant 0 : i32
    %gt3A_85 = vector.broadcast %gt3A_84 : i32 to vector<256x128xi32>
    %gt3A_86 = arith.cmpi sgt, %and3A_83, %gt3A_85 : vector<256x128xi32>
    %and3A_87 = arith.constant 1 : i32
    %and3A_88 = vector.broadcast %and3A_87 : i32 to vector<256x128xi32>
    %and3A_89 = arith.andi %get3A_68, %and3A_88 : vector<256x128xi32>
    %gt3A_90 = arith.constant 0 : i32
    %gt3A_91 = vector.broadcast %gt3A_90 : i32 to vector<256x128xi32>
    %gt3A_92 = arith.cmpi sgt, %and3A_89, %gt3A_91 : vector<256x128xi32>
    %jit3A_93 = arith.constant 1.000000e+00 : f32
    %jit3A_94 = arith.constant -1.000000e+00 : f32
    %broadcast_in_dim3A_95 = vector.broadcast %jit3A_93 : f32 to vector<256x128xf32>
    %broadcast_in_dim3A_96 = vector.broadcast %jit3A_94 : f32 to vector<256x128xf32>
    %select_n3A_97 = arith.select %gt3A_80, %broadcast_in_dim3A_95, %broadcast_in_dim3A_96 : vector<256x128xi1>, vector<256x128xf32>
    %jit3A_98 = arith.constant 1.000000e+00 : f32
    %jit3A_99 = arith.constant -1.000000e+00 : f32
    %broadcast_in_dim3A_100 = vector.broadcast %jit3A_98 : f32 to vector<256x128xf32>
    %broadcast_in_dim3A_101 = vector.broadcast %jit3A_99 : f32 to vector<256x128xf32>
    %select_n3A_102 = arith.select %gt3A_86, %broadcast_in_dim3A_100, %broadcast_in_dim3A_101 : vector<256x128xi1>, vector<256x128xf32>
    %jit3A_103 = arith.constant 1.000000e+00 : f32
    %jit3A_104 = arith.constant -1.000000e+00 : f32
    %broadcast_in_dim3A_105 = vector.broadcast %jit3A_103 : f32 to vector<256x128xf32>
    %broadcast_in_dim3A_106 = vector.broadcast %jit3A_104 : f32 to vector<256x128xf32>
    %select_n3A_107 = arith.select %gt3A_92, %broadcast_in_dim3A_105, %broadcast_in_dim3A_106 : vector<256x128xi1>, vector<256x128xf32>
    %iota3A_108 = tpu.iota {dimensions = array<i32: 1>} : vector<256x128xi32>
    %lt3A_109 = arith.constant 64 : i32
    %lt3A_110 = vector.broadcast %lt3A_109 : i32 to vector<256x128xi32>
    %lt3A_111 = arith.cmpi slt, %iota3A_108, %lt3A_110 : vector<256x128xi32>
    %or3A_112 = arith.ori %lt3A_111, %gt3A_74 : vector<256x128xi1>
    %jit3A_113 = arith.constant 1.000000e+00 : f32
    %jit3A_114 = arith.constant -1.000000e+00 : f32
    %broadcast_in_dim3A_115 = vector.broadcast %jit3A_113 : f32 to vector<256x128xf32>
    %broadcast_in_dim3A_116 = vector.broadcast %jit3A_114 : f32 to vector<256x128xf32>
    %select_n3A_117 = arith.select %or3A_112, %broadcast_in_dim3A_115, %broadcast_in_dim3A_116 : vector<256x128xi1>, vector<256x128xf32>
    %mul3A_118 = arith.mulf %select_n3A_97, %select_n3A_102 : vector<256x128xf32>
    %mul3A_119 = arith.mulf %select_n3A_97, %select_n3A_107 : vector<256x128xf32>
    %mul3A_120 = arith.mulf %select_n3A_102, %select_n3A_107 : vector<256x128xf32>
    %mul3A_121 = arith.mulf %mul3A_118, %select_n3A_107 : vector<256x128xf32>
    %mul3A_122 = arith.mulf %select_n3A_97, %select_n3A_117 : vector<256x128xf32>
    %mul3A_123 = arith.mulf %select_n3A_102, %select_n3A_117 : vector<256x128xf32>
    %mul3A_124 = arith.mulf %mul3A_118, %select_n3A_117 : vector<256x128xf32>
    %mul3A_125 = arith.mulf %select_n3A_107, %select_n3A_117 : vector<256x128xf32>
    %mul3A_126 = arith.mulf %mul3A_119, %select_n3A_117 : vector<256x128xf32>
    %mul3A_127 = arith.mulf %mul3A_120, %select_n3A_117 : vector<256x128xf32>
    %mul3A_128 = arith.mulf %mul3A_121, %select_n3A_117 : vector<256x128xf32>
    %convert_element_type3A_129 = arith.truncf %select_n3A_117 : vector<256x128xf32> to vector<256x128xbf16>
    %convert_element_type3A_130 = arith.truncf %mul3A_122 : vector<256x128xf32> to vector<256x128xbf16>
    %convert_element_type3A_131 = arith.truncf %mul3A_123 : vector<256x128xf32> to vector<256x128xbf16>
    %convert_element_type3A_132 = arith.truncf %mul3A_124 : vector<256x128xf32> to vector<256x128xbf16>
    %convert_element_type3A_133 = arith.truncf %mul3A_125 : vector<256x128xf32> to vector<256x128xbf16>
    %convert_element_type3A_134 = arith.truncf %mul3A_126 : vector<256x128xf32> to vector<256x128xbf16>
    %convert_element_type3A_135 = arith.truncf %mul3A_127 : vector<256x128xf32> to vector<256x128xbf16>
    %convert_element_type3A_136 = arith.truncf %mul3A_128 : vector<256x128xf32> to vector<256x128xbf16>
    %concatenate3A_137 = tpu.concatenate %convert_element_type3A_129, %convert_element_type3A_130, %convert_element_type3A_131, %convert_element_type3A_132, %convert_element_type3A_133, %convert_element_type3A_134, %convert_element_type3A_135, %convert_element_type3A_136 in 1 : vector<256x128xbf16>, vector<256x128xbf16>, vector<256x128xbf16>, vector<256x128xbf16>, vector<256x128xbf16>, vector<256x128xbf16>, vector<256x128xbf16>, vector<256x128xbf16> -> vector<256x1024xbf16>
    %dot_general3A_138 = arith.constant dense<0.000000e+00> : vector<256x512xf32>
    %dot_general3A_139 = tpu.matmul %concatenate3A_137, %get3A_1, %dot_general3A_138 {dimension_numbers = #tpu.dot_dimension_numbers<[1], [0], [0], [1], [0, 0, 1, 1], [], []>, transpose_lhs_hint = false} : vector<256x1024xbf16>, vector<1024x512xbf16>, vector<256x512xf32> -> vector<256x512xf32>
    %swap3A_140 = arith.constant 256 : index
    %swap3A_141 = arith.constant 0 : index
    %swap3A_142 = vector.load %arg3[%swap3A_140, %swap3A_141] : memref<2048x512xf32, #tpu.memory_space<vmem>>, vector<256x512xf32>
    tpu.vector_store %arg3[%swap3A_140, %swap3A_141], %dot_general3A_139 {strides = array<i32>} : memref<2048x512xf32, #tpu.memory_space<vmem>>, vector<256x512xf32>,
    %get3A_143 = arith.constant 512 : index
    %get3A_144 = arith.constant 0 : index
    %get3A_145 = vector.load %arg1[%get3A_143, %get3A_144] : memref<2048x128xi32, #tpu.memory_space<vmem>>, vector<256x128xi32>
    %and3A_146 = arith.constant 8 : i32
    %and3A_147 = vector.broadcast %and3A_146 : i32 to vector<256x128xi32>
    %and3A_148 = arith.andi %get3A_145, %and3A_147 : vector<256x128xi32>
    %gt3A_149 = arith.constant 0 : i32
    %gt3A_150 = vector.broadcast %gt3A_149 : i32 to vector<256x128xi32>
    %gt3A_151 = arith.cmpi sgt, %and3A_148, %gt3A_150 : vector<256x128xi32>
    %and3A_152 = arith.constant 4 : i32
    %and3A_153 = vector.broadcast %and3A_152 : i32 to vector<256x128xi32>
    %and3A_154 = arith.andi %get3A_145, %and3A_153 : vector<256x128xi32>
    %gt3A_155 = arith.constant 0 : i32
    %gt3A_156 = vector.broadcast %gt3A_155 : i32 to vector<256x128xi32>
    %gt3A_157 = arith.cmpi sgt, %and3A_154, %gt3A_156 : vector<256x128xi32>
    %and3A_158 = arith.constant 2 : i32
    %and3A_159 = vector.broadcast %and3A_158 : i32 to vector<256x128xi32>
    %and3A_160 = arith.andi %get3A_145, %and3A_159 : vector<256x128xi32>
    %gt3A_161 = arith.constant 0 : i32
    %gt3A_162 = vector.broadcast %gt3A_161 : i32 to vector<256x128xi32>
    %gt3A_163 = arith.cmpi sgt, %and3A_160, %gt3A_162 : vector<256x128xi32>
    %and3A_164 = arith.constant 1 : i32
    %and3A_165 = vector.broadcast %and3A_164 : i32 to vector<256x128xi32>
    %and3A_166 = arith.andi %get3A_145, %and3A_165 : vector<256x128xi32>
    %gt3A_167 = arith.constant 0 : i32
    %gt3A_168 = vector.broadcast %gt3A_167 : i32 to vector<256x128xi32>
    %gt3A_169 = arith.cmpi sgt, %and3A_166, %gt3A_168 : vector<256x128xi32>
    %jit3A_170 = arith.constant 1.000000e+00 : f32
    %jit3A_171 = arith.constant -1.000000e+00 : f32
    %broadcast_in_dim3A_172 = vector.broadcast %jit3A_170 : f32 to vector<256x128xf32>
    %broadcast_in_dim3A_173 = vector.broadcast %jit3A_171 : f32 to vector<256x128xf32>
    %select_n3A_174 = arith.select %gt3A_157, %broadcast_in_dim3A_172, %broadcast_in_dim3A_173 : vector<256x128xi1>, vector<256x128xf32>
    %jit3A_175 = arith.constant 1.000000e+00 : f32
    %jit3A_176 = arith.constant -1.000000e+00 : f32
    %broadcast_in_dim3A_177 = vector.broadcast %jit3A_175 : f32 to vector<256x128xf32>
    %broadcast_in_dim3A_178 = vector.broadcast %jit3A_176 : f32 to vector<256x128xf32>
    %select_n3A_179 = arith.select %gt3A_163, %broadcast_in_dim3A_177, %broadcast_in_dim3A_178 : vector<256x128xi1>, vector<256x128xf32>
    %jit3A_180 = arith.constant 1.000000e+00 : f32
    %jit3A_181 = arith.constant -1.000000e+00 : f32
    %broadcast_in_dim3A_182 = vector.broadcast %jit3A_180 : f32 to vector<256x128xf32>
    %broadcast_in_dim3A_183 = vector.broadcast %jit3A_181 : f32 to vector<256x128xf32>
    %select_n3A_184 = arith.select %gt3A_169, %broadcast_in_dim3A_182, %broadcast_in_dim3A_183 : vector<256x128xi1>, vector<256x128xf32>
    %iota3A_185 = tpu.iota {dimensions = array<i32: 1>} : vector<256x128xi32>
    %lt3A_186 = arith.constant 64 : i32
    %lt3A_187 = vector.broadcast %lt3A_186 : i32 to vector<256x128xi32>
    %lt3A_188 = arith.cmpi slt, %iota3A_185, %lt3A_187 : vector<256x128xi32>
    %or3A_189 = arith.ori %lt3A_188, %gt3A_151 : vector<256x128xi1>
    %jit3A_190 = arith.constant 1.000000e+00 : f32
    %jit3A_191 = arith.constant -1.000000e+00 : f32
    %broadcast_in_dim3A_192 = vector.broadcast %jit3A_190 : f32 to vector<256x128xf32>
    %broadcast_in_dim3A_193 = vector.broadcast %jit3A_191 : f32 to vector<256x128xf32>
    %select_n3A_194 = arith.select %or3A_189, %broadcast_in_dim3A_192, %broadcast_in_dim3A_193 : vector<256x128xi1>, vector<256x128xf32>
    %mul3A_195 = arith.mulf %select_n3A_174, %select_n3A_179 : vector<256x128xf32>
    %mul3A_196 = arith.mulf %select_n3A_174, %select_n3A_184 : vector<256x128xf32>
    %mul3A_197 = arith.mulf %select_n3A_179, %select_n3A_184 : vector<256x128xf32>
    %mul3A_198 = arith.mulf %mul3A_195, %select_n3A_184 : vector<256x128xf32>
    %mul3A_199 = arith.mulf %select_n3A_174, %select_n3A_194 : vector<256x128xf32>
    %mul3A_200 = arith.mulf %select_n3A_179, %select_n3A_194 : vector<256x128xf32>
    %mul3A_201 = arith.mulf %mul3A_195, %select_n3A_194 : vector<256x128xf32>
    %mul3A_202 = arith.mulf %select_n3A_184, %select_n3A_194 : vector<256x128xf32>
    %mul3A_203 = arith.mulf %mul3A_196, %select_n3A_194 : vector<256x128xf32>
    %mul3A_204 = arith.mulf %mul3A_197, %select_n3A_194 : vector<256x128xf32>
    %mul3A_205 = arith.mulf %mul3A_198, %select_n3A_194 : vector<256x128xf32>
    %convert_element_type3A_206 = arith.truncf %select_n3A_194 : vector<256x128xf32> to vector<256x128xbf16>
    %convert_element_type3A_207 = arith.truncf %mul3A_199 : vector<256x128xf32> to vector<256x128xbf16>
    %convert_element_type3A_208 = arith.truncf %mul3A_200 : vector<256x128xf32> to vector<256x128xbf16>
    %convert_element_type3A_209 = arith.truncf %mul3A_201 : vector<256x128xf32> to vector<256x128xbf16>
    %convert_element_type3A_210 = arith.truncf %mul3A_202 : vector<256x128xf32> to vector<256x128xbf16>
    %convert_element_type3A_211 = arith.truncf %mul3A_203 : vector<256x128xf32> to vector<256x128xbf16>
    %convert_element_type3A_212 = arith.truncf %mul3A_204 : vector<256x128xf32> to vector<256x128xbf16>
    %convert_element_type3A_213 = arith.truncf %mul3A_205 : vector<256x128xf32> to vector<256x128xbf16>
    %concatenate3A_214 = tpu.concatenate %convert_element_type3A_206, %convert_element_type3A_207, %convert_element_type3A_208, %convert_element_type3A_209, %convert_element_type3A_210, %convert_element_type3A_211, %convert_element_type3A_212, %convert_element_type3A_213 in 1 : vector<256x128xbf16>, vector<256x128xbf16>, vector<256x128xbf16>, vector<256x128xbf16>, vector<256x128xbf16>, vector<256x128xbf16>, vector<256x128xbf16>, vector<256x128xbf16> -> vector<256x1024xbf16>
    %dot_general3A_215 = arith.constant dense<0.000000e+00> : vector<256x512xf32>
    %dot_general3A_216 = tpu.matmul %concatenate3A_214, %get3A_1, %dot_general3A_215 {dimension_numbers = #tpu.dot_dimension_numbers<[1], [0], [0], [1], [0, 0, 1, 1], [], []>, transpose_lhs_hint = false} : vector<256x1024xbf16>, vector<1024x512xbf16>, vector<256x512xf32> -> vector<256x512xf32>
    %swap3A_217 = arith.constant 512 : index
    %swap3A_218 = arith.constant 0 : index
    %swap3A_219 = vector.load %arg3[%swap3A_217, %swap3A_218] : memref<2048x512xf32, #tpu.memory_space<vmem>>, vector<256x512xf32>
    tpu.vector_store %arg3[%swap3A_217, %swap3A_218], %dot_general3A_216 {strides = array<i32>} : memref<2048x512xf32, #tpu.memory_space<vmem>>, vector<256x512xf32>,
    %get3A_220 = arith.constant 768 : index
    %get3A_221 = arith.constant 0 : index
    %get3A_222 = vector.load %arg1[%get3A_220, %get3A_221] : memref<2048x128xi32, #tpu.memory_space<vmem>>, vector<256x128xi32>
    %and3A_223 = arith.constant 8 : i32
    %and3A_224 = vector.broadcast %and3A_223 : i32 to vector<256x128xi32>
    %and3A_225 = arith.andi %get3A_222, %and3A_224 : vector<256x128xi32>
    %gt3A_226 = arith.constant 0 : i32
    %gt3A_227 = vector.broadcast %gt3A_226 : i32 to vector<256x128xi32>
    %gt3A_228 = arith.cmpi sgt, %and3A_225, %gt3A_227 : vector<256x128xi32>
    %and3A_229 = arith.constant 4 : i32
    %and3A_230 = vector.broadcast %and3A_229 : i32 to vector<256x128xi32>
    %and3A_231 = arith.andi %get3A_222, %and3A_230 : vector<256x128xi32>
    %gt3A_232 = arith.constant 0 : i32
    %gt3A_233 = vector.broadcast %gt3A_232 : i32 to vector<256x128xi32>
    %gt3A_234 = arith.cmpi sgt, %and3A_231, %gt3A_233 : vector<256x128xi32>
    %and3A_235 = arith.constant 2 : i32
    %and3A_236 = vector.broadcast %and3A_235 : i32 to vector<256x128xi32>
    %and3A_237 = arith.andi %get3A_222, %and3A_236 : vector<256x128xi32>
    %gt3A_238 = arith.constant 0 : i32
    %gt3A_239 = vector.broadcast %gt3A_238 : i32 to vector<256x128xi32>
    %gt3A_240 = arith.cmpi sgt, %and3A_237, %gt3A_239 : vector<256x128xi32>
    %and3A_241 = arith.constant 1 : i32
    %and3A_242 = vector.broadcast %and3A_241 : i32 to vector<256x128xi32>
    %and3A_243 = arith.andi %get3A_222, %and3A_242 : vector<256x128xi32>
    %gt3A_244 = arith.constant 0 : i32
    %gt3A_245 = vector.broadcast %gt3A_244 : i32 to vector<256x128xi32>
    %gt3A_246 = arith.cmpi sgt, %and3A_243, %gt3A_245 : vector<256x128xi32>
    %jit3A_247 = arith.constant 1.000000e+00 : f32
    %jit3A_248 = arith.constant -1.000000e+00 : f32
    %broadcast_in_dim3A_249 = vector.broadcast %jit3A_247 : f32 to vector<256x128xf32>
    %broadcast_in_dim3A_250 = vector.broadcast %jit3A_248 : f32 to vector<256x128xf32>
    %select_n3A_251 = arith.select %gt3A_234, %broadcast_in_dim3A_249, %broadcast_in_dim3A_250 : vector<256x128xi1>, vector<256x128xf32>
    %jit3A_252 = arith.constant 1.000000e+00 : f32
    %jit3A_253 = arith.constant -1.000000e+00 : f32
    %broadcast_in_dim3A_254 = vector.broadcast %jit3A_252 : f32 to vector<256x128xf32>
    %broadcast_in_dim3A_255 = vector.broadcast %jit3A_253 : f32 to vector<256x128xf32>
    %select_n3A_256 = arith.select %gt3A_240, %broadcast_in_dim3A_254, %broadcast_in_dim3A_255 : vector<256x128xi1>, vector<256x128xf32>
    %jit3A_257 = arith.constant 1.000000e+00 : f32
    %jit3A_258 = arith.constant -1.000000e+00 : f32
    %broadcast_in_dim3A_259 = vector.broadcast %jit3A_257 : f32 to vector<256x128xf32>
    %broadcast_in_dim3A_260 = vector.broadcast %jit3A_258 : f32 to vector<256x128xf32>
    %select_n3A_261 = arith.select %gt3A_246, %broadcast_in_dim3A_259, %broadcast_in_dim3A_260 : vector<256x128xi1>, vector<256x128xf32>
    %iota3A_262 = tpu.iota {dimensions = array<i32: 1>} : vector<256x128xi32>
    %lt3A_263 = arith.constant 64 : i32
    %lt3A_264 = vector.broadcast %lt3A_263 : i32 to vector<256x128xi32>
    %lt3A_265 = arith.cmpi slt, %iota3A_262, %lt3A_264 : vector<256x128xi32>
    %or3A_266 = arith.ori %lt3A_265, %gt3A_228 : vector<256x128xi1>
    %jit3A_267 = arith.constant 1.000000e+00 : f32
    %jit3A_268 = arith.constant -1.000000e+00 : f32
    %broadcast_in_dim3A_269 = vector.broadcast %jit3A_267 : f32 to vector<256x128xf32>
    %broadcast_in_dim3A_270 = vector.broadcast %jit3A_268 : f32 to vector<256x128xf32>
    %select_n3A_271 = arith.select %or3A_266, %broadcast_in_dim3A_269, %broadcast_in_dim3A_270 : vector<256x128xi1>, vector<256x128xf32>
    %mul3A_272 = arith.mulf %select_n3A_251, %select_n3A_256 : vector<256x128xf32>
    %mul3A_273 = arith.mulf %select_n3A_251, %select_n3A_261 : vector<256x128xf32>
    %mul3A_274 = arith.mulf %select_n3A_256, %select_n3A_261 : vector<256x128xf32>
    %mul3A_275 = arith.mulf %mul3A_272, %select_n3A_261 : vector<256x128xf32>
    %mul3A_276 = arith.mulf %select_n3A_251, %select_n3A_271 : vector<256x128xf32>
    %mul3A_277 = arith.mulf %select_n3A_256, %select_n3A_271 : vector<256x128xf32>
    %mul3A_278 = arith.mulf %mul3A_272, %select_n3A_271 : vector<256x128xf32>
    %mul3A_279 = arith.mulf %select_n3A_261, %select_n3A_271 : vector<256x128xf32>
    %mul3A_280 = arith.mulf %mul3A_273, %select_n3A_271 : vector<256x128xf32>
    %mul3A_281 = arith.mulf %mul3A_274, %select_n3A_271 : vector<256x128xf32>
    %mul3A_282 = arith.mulf %mul3A_275, %select_n3A_271 : vector<256x128xf32>
    %convert_element_type3A_283 = arith.truncf %select_n3A_271 : vector<256x128xf32> to vector<256x128xbf16>
    %convert_element_type3A_284 = arith.truncf %mul3A_276 : vector<256x128xf32> to vector<256x128xbf16>
    %convert_element_type3A_285 = arith.truncf %mul3A_277 : vector<256x128xf32> to vector<256x128xbf16>
    %convert_element_type3A_286 = arith.truncf %mul3A_278 : vector<256x128xf32> to vector<256x128xbf16>
    %convert_element_type3A_287 = arith.truncf %mul3A_279 : vector<256x128xf32> to vector<256x128xbf16>
    %convert_element_type3A_288 = arith.truncf %mul3A_280 : vector<256x128xf32> to vector<256x128xbf16>
    %convert_element_type3A_289 = arith.truncf %mul3A_281 : vector<256x128xf32> to vector<256x128xbf16>
    %convert_element_type3A_290 = arith.truncf %mul3A_282 : vector<256x128xf32> to vector<256x128xbf16>
    %concatenate3A_291 = tpu.concatenate %convert_element_type3A_283, %convert_element_type3A_284, %convert_element_type3A_285, %convert_element_type3A_286, %convert_element_type3A_287, %convert_element_type3A_288, %convert_element_type3A_289, %convert_element_type3A_290 in 1 : vector<256x128xbf16>, vector<256x128xbf16>, vector<256x128xbf16>, vector<256x128xbf16>, vector<256x128xbf16>, vector<256x128xbf16>, vector<256x128xbf16>, vector<256x128xbf16> -> vector<256x1024xbf16>
    %dot_general3A_292 = arith.constant dense<0.000000e+00> : vector<256x512xf32>
    %dot_general3A_293 = tpu.matmul %concatenate3A_291, %get3A_1, %dot_general3A_292 {dimension_numbers = #tpu.dot_dimension_numbers<[1], [0], [0], [1], [0, 0, 1, 1], [], []>, transpose_lhs_hint = false} : vector<256x1024xbf16>, vector<1024x512xbf16>, vector<256x512xf32> -> vector<256x512xf32>
    %swap3A_294 = arith.constant 768 : index
    %swap3A_295 = arith.constant 0 : index
    %swap3A_296 = vector.load %arg3[%swap3A_294, %swap3A_295] : memref<2048x512xf32, #tpu.memory_space<vmem>>, vector<256x512xf32>
    tpu.vector_store %arg3[%swap3A_294, %swap3A_295], %dot_general3A_293 {strides = array<i32>} : memref<2048x512xf32, #tpu.memory_space<vmem>>, vector<256x512xf32>,
    %get3A_297 = arith.constant 1024 : index
    %get3A_298 = arith.constant 0 : index
    %get3A_299 = vector.load %arg1[%get3A_297, %get3A_298] : memref<2048x128xi32, #tpu.memory_space<vmem>>, vector<256x128xi32>
    %and3A_300 = arith.constant 8 : i32
    %and3A_301 = vector.broadcast %and3A_300 : i32 to vector<256x128xi32>
    %and3A_302 = arith.andi %get3A_299, %and3A_301 : vector<256x128xi32>
    %gt3A_303 = arith.constant 0 : i32
    %gt3A_304 = vector.broadcast %gt3A_303 : i32 to vector<256x128xi32>
    %gt3A_305 = arith.cmpi sgt, %and3A_302, %gt3A_304 : vector<256x128xi32>
    %and3A_306 = arith.constant 4 : i32
    %and3A_307 = vector.broadcast %and3A_306 : i32 to vector<256x128xi32>
    %and3A_308 = arith.andi %get3A_299, %and3A_307 : vector<256x128xi32>
    %gt3A_309 = arith.constant 0 : i32
    %gt3A_310 = vector.broadcast %gt3A_309 : i32 to vector<256x128xi32>
    %gt3A_311 = arith.cmpi sgt, %and3A_308, %gt3A_310 : vector<256x128xi32>
    %and3A_312 = arith.constant 2 : i32
    %and3A_313 = vector.broadcast %and3A_312 : i32 to vector<256x128xi32>
    %and3A_314 = arith.andi %get3A_299, %and3A_313 : vector<256x128xi32>
    %gt3A_315 = arith.constant 0 : i32
    %gt3A_316 = vector.broadcast %gt3A_315 : i32 to vector<256x128xi32>
    %gt3A_317 = arith.cmpi sgt, %and3A_314, %gt3A_316 : vector<256x128xi32>
    %and3A_318 = arith.constant 1 : i32
    %and3A_319 = vector.broadcast %and3A_318 : i32 to vector<256x128xi32>
    %and3A_320 = arith.andi %get3A_299, %and3A_319 : vector<256x128xi32>
    %gt3A_321 = arith.constant 0 : i32
    %gt3A_322 = vector.broadcast %gt3A_321 : i32 to vector<256x128xi32>
    %gt3A_323 = arith.cmpi sgt, %and3A_320, %gt3A_322 : vector<256x128xi32>
    %jit3A_324 = arith.constant 1.000000e+00 : f32
    %jit3A_325 = arith.constant -1.000000e+00 : f32
    %broadcast_in_dim3A_326 = vector.broadcast %jit3A_324 : f32 to vector<256x128xf32>
    %broadcast_in_dim3A_327 = vector.broadcast %jit3A_325 : f32 to vector<256x128xf32>
    %select_n3A_328 = arith.select %gt3A_311, %broadcast_in_dim3A_326, %broadcast_in_dim3A_327 : vector<256x128xi1>, vector<256x128xf32>
    %jit3A_329 = arith.constant 1.000000e+00 : f32
    %jit3A_330 = arith.constant -1.000000e+00 : f32
    %broadcast_in_dim3A_331 = vector.broadcast %jit3A_329 : f32 to vector<256x128xf32>
    %broadcast_in_dim3A_332 = vector.broadcast %jit3A_330 : f32 to vector<256x128xf32>
    %select_n3A_333 = arith.select %gt3A_317, %broadcast_in_dim3A_331, %broadcast_in_dim3A_332 : vector<256x128xi1>, vector<256x128xf32>
    %jit3A_334 = arith.constant 1.000000e+00 : f32
    %jit3A_335 = arith.constant -1.000000e+00 : f32
    %broadcast_in_dim3A_336 = vector.broadcast %jit3A_334 : f32 to vector<256x128xf32>
    %broadcast_in_dim3A_337 = vector.broadcast %jit3A_335 : f32 to vector<256x128xf32>
    %select_n3A_338 = arith.select %gt3A_323, %broadcast_in_dim3A_336, %broadcast_in_dim3A_337 : vector<256x128xi1>, vector<256x128xf32>
    %iota3A_339 = tpu.iota {dimensions = array<i32: 1>} : vector<256x128xi32>
    %lt3A_340 = arith.constant 64 : i32
    %lt3A_341 = vector.broadcast %lt3A_340 : i32 to vector<256x128xi32>
    %lt3A_342 = arith.cmpi slt, %iota3A_339, %lt3A_341 : vector<256x128xi32>
    %or3A_343 = arith.ori %lt3A_342, %gt3A_305 : vector<256x128xi1>
    %jit3A_344 = arith.constant 1.000000e+00 : f32
    %jit3A_345 = arith.constant -1.000000e+00 : f32
    %broadcast_in_dim3A_346 = vector.broadcast %jit3A_344 : f32 to vector<256x128xf32>
    %broadcast_in_dim3A_347 = vector.broadcast %jit3A_345 : f32 to vector<256x128xf32>
    %select_n3A_348 = arith.select %or3A_343, %broadcast_in_dim3A_346, %broadcast_in_dim3A_347 : vector<256x128xi1>, vector<256x128xf32>
    %mul3A_349 = arith.mulf %select_n3A_328, %select_n3A_333 : vector<256x128xf32>
    %mul3A_350 = arith.mulf %select_n3A_328, %select_n3A_338 : vector<256x128xf32>
    %mul3A_351 = arith.mulf %select_n3A_333, %select_n3A_338 : vector<256x128xf32>
    %mul3A_352 = arith.mulf %mul3A_349, %select_n3A_338 : vector<256x128xf32>
    %mul3A_353 = arith.mulf %select_n3A_328, %select_n3A_348 : vector<256x128xf32>
    %mul3A_354 = arith.mulf %select_n3A_333, %select_n3A_348 : vector<256x128xf32>
    %mul3A_355 = arith.mulf %mul3A_349, %select_n3A_348 : vector<256x128xf32>
    %mul3A_356 = arith.mulf %select_n3A_338, %select_n3A_348 : vector<256x128xf32>
    %mul3A_357 = arith.mulf %mul3A_350, %select_n3A_348 : vector<256x128xf32>
    %mul3A_358 = arith.mulf %mul3A_351, %select_n3A_348 : vector<256x128xf32>
    %mul3A_359 = arith.mulf %mul3A_352, %select_n3A_348 : vector<256x128xf32>
    %convert_element_type3A_360 = arith.truncf %select_n3A_348 : vector<256x128xf32> to vector<256x128xbf16>
    %convert_element_type3A_361 = arith.truncf %mul3A_353 : vector<256x128xf32> to vector<256x128xbf16>
    %convert_element_type3A_362 = arith.truncf %mul3A_354 : vector<256x128xf32> to vector<256x128xbf16>
    %convert_element_type3A_363 = arith.truncf %mul3A_355 : vector<256x128xf32> to vector<256x128xbf16>
    %convert_element_type3A_364 = arith.truncf %mul3A_356 : vector<256x128xf32> to vector<256x128xbf16>
    %convert_element_type3A_365 = arith.truncf %mul3A_357 : vector<256x128xf32> to vector<256x128xbf16>
    %convert_element_type3A_366 = arith.truncf %mul3A_358 : vector<256x128xf32> to vector<256x128xbf16>
    %convert_element_type3A_367 = arith.truncf %mul3A_359 : vector<256x128xf32> to vector<256x128xbf16>
    %concatenate3A_368 = tpu.concatenate %convert_element_type3A_360, %convert_element_type3A_361, %convert_element_type3A_362, %convert_element_type3A_363, %convert_element_type3A_364, %convert_element_type3A_365, %convert_element_type3A_366, %convert_element_type3A_367 in 1 : vector<256x128xbf16>, vector<256x128xbf16>, vector<256x128xbf16>, vector<256x128xbf16>, vector<256x128xbf16>, vector<256x128xbf16>, vector<256x128xbf16>, vector<256x128xbf16> -> vector<256x1024xbf16>
    %dot_general3A_369 = arith.constant dense<0.000000e+00> : vector<256x512xf32>
    %dot_general3A_370 = tpu.matmul %concatenate3A_368, %get3A_1, %dot_general3A_369 {dimension_numbers = #tpu.dot_dimension_numbers<[1], [0], [0], [1], [0, 0, 1, 1], [], []>, transpose_lhs_hint = false} : vector<256x1024xbf16>, vector<1024x512xbf16>, vector<256x512xf32> -> vector<256x512xf32>
    %swap3A_371 = arith.constant 1024 : index
    %swap3A_372 = arith.constant 0 : index
    %swap3A_373 = vector.load %arg3[%swap3A_371, %swap3A_372] : memref<2048x512xf32, #tpu.memory_space<vmem>>, vector<256x512xf32>
    tpu.vector_store %arg3[%swap3A_371, %swap3A_372], %dot_general3A_370 {strides = array<i32>} : memref<2048x512xf32, #tpu.memory_space<vmem>>, vector<256x512xf32>,
    %get3A_374 = arith.constant 1280 : index
    %get3A_375 = arith.constant 0 : index
    %get3A_376 = vector.load %arg1[%get3A_374, %get3A_375] : memref<2048x128xi32, #tpu.memory_space<vmem>>, vector<256x128xi32>
    %and3A_377 = arith.constant 8 : i32
    %and3A_378 = vector.broadcast %and3A_377 : i32 to vector<256x128xi32>
    %and3A_379 = arith.andi %get3A_376, %and3A_378 : vector<256x128xi32>
    %gt3A_380 = arith.constant 0 : i32
    %gt3A_381 = vector.broadcast %gt3A_380 : i32 to vector<256x128xi32>
    %gt3A_382 = arith.cmpi sgt, %and3A_379, %gt3A_381 : vector<256x128xi32>
    %and3A_383 = arith.constant 4 : i32
    %and3A_384 = vector.broadcast %and3A_383 : i32 to vector<256x128xi32>
    %and3A_385 = arith.andi %get3A_376, %and3A_384 : vector<256x128xi32>
    %gt3A_386 = arith.constant 0 : i32
    %gt3A_387 = vector.broadcast %gt3A_386 : i32 to vector<256x128xi32>
    %gt3A_388 = arith.cmpi sgt, %and3A_385, %gt3A_387 : vector<256x128xi32>
    %and3A_389 = arith.constant 2 : i32
    %and3A_390 = vector.broadcast %and3A_389 : i32 to vector<256x128xi32>
    %and3A_391 = arith.andi %get3A_376, %and3A_390 : vector<256x128xi32>
    %gt3A_392 = arith.constant 0 : i32
    %gt3A_393 = vector.broadcast %gt3A_392 : i32 to vector<256x128xi32>
    %gt3A_394 = arith.cmpi sgt, %and3A_391, %gt3A_393 : vector<256x128xi32>
    %and3A_395 = arith.constant 1 : i32
    %and3A_396 = vector.broadcast %and3A_395 : i32 to vector<256x128xi32>
    %and3A_397 = arith.andi %get3A_376, %and3A_396 : vector<256x128xi32>
    %gt3A_398 = arith.constant 0 : i32
    %gt3A_399 = vector.broadcast %gt3A_398 : i32 to vector<256x128xi32>
    %gt3A_400 = arith.cmpi sgt, %and3A_397, %gt3A_399 : vector<256x128xi32>
    %jit3A_401 = arith.constant 1.000000e+00 : f32
    %jit3A_402 = arith.constant -1.000000e+00 : f32
    %broadcast_in_dim3A_403 = vector.broadcast %jit3A_401 : f32 to vector<256x128xf32>
    %broadcast_in_dim3A_404 = vector.broadcast %jit3A_402 : f32 to vector<256x128xf32>
    %select_n3A_405 = arith.select %gt3A_388, %broadcast_in_dim3A_403, %broadcast_in_dim3A_404 : vector<256x128xi1>, vector<256x128xf32>
    %jit3A_406 = arith.constant 1.000000e+00 : f32
    %jit3A_407 = arith.constant -1.000000e+00 : f32
    %broadcast_in_dim3A_408 = vector.broadcast %jit3A_406 : f32 to vector<256x128xf32>
    %broadcast_in_dim3A_409 = vector.broadcast %jit3A_407 : f32 to vector<256x128xf32>
    %select_n3A_410 = arith.select %gt3A_394, %broadcast_in_dim3A_408, %broadcast_in_dim3A_409 : vector<256x128xi1>, vector<256x128xf32>
    %jit3A_411 = arith.constant 1.000000e+00 : f32
    %jit3A_412 = arith.constant -1.000000e+00 : f32
    %broadcast_in_dim3A_413 = vector.broadcast %jit3A_411 : f32 to vector<256x128xf32>
    %broadcast_in_dim3A_414 = vector.broadcast %jit3A_412 : f32 to vector<256x128xf32>
    %select_n3A_415 = arith.select %gt3A_400, %broadcast_in_dim3A_413, %broadcast_in_dim3A_414 : vector<256x128xi1>, vector<256x128xf32>
    %iota3A_416 = tpu.iota {dimensions = array<i32: 1>} : vector<256x128xi32>
    %lt3A_417 = arith.constant 64 : i32
    %lt3A_418 = vector.broadcast %lt3A_417 : i32 to vector<256x128xi32>
    %lt3A_419 = arith.cmpi slt, %iota3A_416, %lt3A_418 : vector<256x128xi32>
    %or3A_420 = arith.ori %lt3A_419, %gt3A_382 : vector<256x128xi1>
    %jit3A_421 = arith.constant 1.000000e+00 : f32
    %jit3A_422 = arith.constant -1.000000e+00 : f32
    %broadcast_in_dim3A_423 = vector.broadcast %jit3A_421 : f32 to vector<256x128xf32>
    %broadcast_in_dim3A_424 = vector.broadcast %jit3A_422 : f32 to vector<256x128xf32>
    %select_n3A_425 = arith.select %or3A_420, %broadcast_in_dim3A_423, %broadcast_in_dim3A_424 : vector<256x128xi1>, vector<256x128xf32>
    %mul3A_426 = arith.mulf %select_n3A_405, %select_n3A_410 : vector<256x128xf32>
    %mul3A_427 = arith.mulf %select_n3A_405, %select_n3A_415 : vector<256x128xf32>
    %mul3A_428 = arith.mulf %select_n3A_410, %select_n3A_415 : vector<256x128xf32>
    %mul3A_429 = arith.mulf %mul3A_426, %select_n3A_415 : vector<256x128xf32>
    %mul3A_430 = arith.mulf %select_n3A_405, %select_n3A_425 : vector<256x128xf32>
    %mul3A_431 = arith.mulf %select_n3A_410, %select_n3A_425 : vector<256x128xf32>
    %mul3A_432 = arith.mulf %mul3A_426, %select_n3A_425 : vector<256x128xf32>
    %mul3A_433 = arith.mulf %select_n3A_415, %select_n3A_425 : vector<256x128xf32>
    %mul3A_434 = arith.mulf %mul3A_427, %select_n3A_425 : vector<256x128xf32>
    %mul3A_435 = arith.mulf %mul3A_428, %select_n3A_425 : vector<256x128xf32>
    %mul3A_436 = arith.mulf %mul3A_429, %select_n3A_425 : vector<256x128xf32>
    %convert_element_type3A_437 = arith.truncf %select_n3A_425 : vector<256x128xf32> to vector<256x128xbf16>
    %convert_element_type3A_438 = arith.truncf %mul3A_430 : vector<256x128xf32> to vector<256x128xbf16>
    %convert_element_type3A_439 = arith.truncf %mul3A_431 : vector<256x128xf32> to vector<256x128xbf16>
    %convert_element_type3A_440 = arith.truncf %mul3A_432 : vector<256x128xf32> to vector<256x128xbf16>
    %convert_element_type3A_441 = arith.truncf %mul3A_433 : vector<256x128xf32> to vector<256x128xbf16>
    %convert_element_type3A_442 = arith.truncf %mul3A_434 : vector<256x128xf32> to vector<256x128xbf16>
    %convert_element_type3A_443 = arith.truncf %mul3A_435 : vector<256x128xf32> to vector<256x128xbf16>
    %convert_element_type3A_444 = arith.truncf %mul3A_436 : vector<256x128xf32> to vector<256x128xbf16>
    %concatenate3A_445 = tpu.concatenate %convert_element_type3A_437, %convert_element_type3A_438, %convert_element_type3A_439, %convert_element_type3A_440, %convert_element_type3A_441, %convert_element_type3A_442, %convert_element_type3A_443, %convert_element_type3A_444 in 1 : vector<256x128xbf16>, vector<256x128xbf16>, vector<256x128xbf16>, vector<256x128xbf16>, vector<256x128xbf16>, vector<256x128xbf16>, vector<256x128xbf16>, vector<256x128xbf16> -> vector<256x1024xbf16>
    %dot_general3A_446 = arith.constant dense<0.000000e+00> : vector<256x512xf32>
    %dot_general3A_447 = tpu.matmul %concatenate3A_445, %get3A_1, %dot_general3A_446 {dimension_numbers = #tpu.dot_dimension_numbers<[1], [0], [0], [1], [0, 0, 1, 1], [], []>, transpose_lhs_hint = false} : vector<256x1024xbf16>, vector<1024x512xbf16>, vector<256x512xf32> -> vector<256x512xf32>
    %swap3A_448 = arith.constant 1280 : index
    %swap3A_449 = arith.constant 0 : index
    %swap3A_450 = vector.load %arg3[%swap3A_448, %swap3A_449] : memref<2048x512xf32, #tpu.memory_space<vmem>>, vector<256x512xf32>
    tpu.vector_store %arg3[%swap3A_448, %swap3A_449], %dot_general3A_447 {strides = array<i32>} : memref<2048x512xf32, #tpu.memory_space<vmem>>, vector<256x512xf32>,
    %get3A_451 = arith.constant 1536 : index
    %get3A_452 = arith.constant 0 : index
    %get3A_453 = vector.load %arg1[%get3A_451, %get3A_452] : memref<2048x128xi32, #tpu.memory_space<vmem>>, vector<256x128xi32>
    %and3A_454 = arith.constant 8 : i32
    %and3A_455 = vector.broadcast %and3A_454 : i32 to vector<256x128xi32>
    %and3A_456 = arith.andi %get3A_453, %and3A_455 : vector<256x128xi32>
    %gt3A_457 = arith.constant 0 : i32
    %gt3A_458 = vector.broadcast %gt3A_457 : i32 to vector<256x128xi32>
    %gt3A_459 = arith.cmpi sgt, %and3A_456, %gt3A_458 : vector<256x128xi32>
    %and3A_460 = arith.constant 4 : i32
    %and3A_461 = vector.broadcast %and3A_460 : i32 to vector<256x128xi32>
    %and3A_462 = arith.andi %get3A_453, %and3A_461 : vector<256x128xi32>
    %gt3A_463 = arith.constant 0 : i32
    %gt3A_464 = vector.broadcast %gt3A_463 : i32 to vector<256x128xi32>
    %gt3A_465 = arith.cmpi sgt, %and3A_462, %gt3A_464 : vector<256x128xi32>
    %and3A_466 = arith.constant 2 : i32
    %and3A_467 = vector.broadcast %and3A_466 : i32 to vector<256x128xi32>
    %and3A_468 = arith.andi %get3A_453, %and3A_467 : vector<256x128xi32>
    %gt3A_469 = arith.constant 0 : i32
    %gt3A_470 = vector.broadcast %gt3A_469 : i32 to vector<256x128xi32>
    %gt3A_471 = arith.cmpi sgt, %and3A_468, %gt3A_470 : vector<256x128xi32>
    %and3A_472 = arith.constant 1 : i32
    %and3A_473 = vector.broadcast %and3A_472 : i32 to vector<256x128xi32>
    %and3A_474 = arith.andi %get3A_453, %and3A_473 : vector<256x128xi32>
    %gt3A_475 = arith.constant 0 : i32
    %gt3A_476 = vector.broadcast %gt3A_475 : i32 to vector<256x128xi32>
    %gt3A_477 = arith.cmpi sgt, %and3A_474, %gt3A_476 : vector<256x128xi32>
    %jit3A_478 = arith.constant 1.000000e+00 : f32
    %jit3A_479 = arith.constant -1.000000e+00 : f32
    %broadcast_in_dim3A_480 = vector.broadcast %jit3A_478 : f32 to vector<256x128xf32>
    %broadcast_in_dim3A_481 = vector.broadcast %jit3A_479 : f32 to vector<256x128xf32>
    %select_n3A_482 = arith.select %gt3A_465, %broadcast_in_dim3A_480, %broadcast_in_dim3A_481 : vector<256x128xi1>, vector<256x128xf32>
    %jit3A_483 = arith.constant 1.000000e+00 : f32
    %jit3A_484 = arith.constant -1.000000e+00 : f32
    %broadcast_in_dim3A_485 = vector.broadcast %jit3A_483 : f32 to vector<256x128xf32>
    %broadcast_in_dim3A_486 = vector.broadcast %jit3A_484 : f32 to vector<256x128xf32>
    %select_n3A_487 = arith.select %gt3A_471, %broadcast_in_dim3A_485, %broadcast_in_dim3A_486 : vector<256x128xi1>, vector<256x128xf32>
    %jit3A_488 = arith.constant 1.000000e+00 : f32
    %jit3A_489 = arith.constant -1.000000e+00 : f32
    %broadcast_in_dim3A_490 = vector.broadcast %jit3A_488 : f32 to vector<256x128xf32>
    %broadcast_in_dim3A_491 = vector.broadcast %jit3A_489 : f32 to vector<256x128xf32>
    %select_n3A_492 = arith.select %gt3A_477, %broadcast_in_dim3A_490, %broadcast_in_dim3A_491 : vector<256x128xi1>, vector<256x128xf32>
    %iota3A_493 = tpu.iota {dimensions = array<i32: 1>} : vector<256x128xi32>
    %lt3A_494 = arith.constant 64 : i32
    %lt3A_495 = vector.broadcast %lt3A_494 : i32 to vector<256x128xi32>
    %lt3A_496 = arith.cmpi slt, %iota3A_493, %lt3A_495 : vector<256x128xi32>
    %or3A_497 = arith.ori %lt3A_496, %gt3A_459 : vector<256x128xi1>
    %jit3A_498 = arith.constant 1.000000e+00 : f32
    %jit3A_499 = arith.constant -1.000000e+00 : f32
    %broadcast_in_dim3A_500 = vector.broadcast %jit3A_498 : f32 to vector<256x128xf32>
    %broadcast_in_dim3A_501 = vector.broadcast %jit3A_499 : f32 to vector<256x128xf32>
    %select_n3A_502 = arith.select %or3A_497, %broadcast_in_dim3A_500, %broadcast_in_dim3A_501 : vector<256x128xi1>, vector<256x128xf32>
    %mul3A_503 = arith.mulf %select_n3A_482, %select_n3A_487 : vector<256x128xf32>
    %mul3A_504 = arith.mulf %select_n3A_482, %select_n3A_492 : vector<256x128xf32>
    %mul3A_505 = arith.mulf %select_n3A_487, %select_n3A_492 : vector<256x128xf32>
    %mul3A_506 = arith.mulf %mul3A_503, %select_n3A_492 : vector<256x128xf32>
    %mul3A_507 = arith.mulf %select_n3A_482, %select_n3A_502 : vector<256x128xf32>
    %mul3A_508 = arith.mulf %select_n3A_487, %select_n3A_502 : vector<256x128xf32>
    %mul3A_509 = arith.mulf %mul3A_503, %select_n3A_502 : vector<256x128xf32>
    %mul3A_510 = arith.mulf %select_n3A_492, %select_n3A_502 : vector<256x128xf32>
    %mul3A_511 = arith.mulf %mul3A_504, %select_n3A_502 : vector<256x128xf32>
    %mul3A_512 = arith.mulf %mul3A_505, %select_n3A_502 : vector<256x128xf32>
    %mul3A_513 = arith.mulf %mul3A_506, %select_n3A_502 : vector<256x128xf32>
    %convert_element_type3A_514 = arith.truncf %select_n3A_502 : vector<256x128xf32> to vector<256x128xbf16>
    %convert_element_type3A_515 = arith.truncf %mul3A_507 : vector<256x128xf32> to vector<256x128xbf16>
    %convert_element_type3A_516 = arith.truncf %mul3A_508 : vector<256x128xf32> to vector<256x128xbf16>
    %convert_element_type3A_517 = arith.truncf %mul3A_509 : vector<256x128xf32> to vector<256x128xbf16>
    %convert_element_type3A_518 = arith.truncf %mul3A_510 : vector<256x128xf32> to vector<256x128xbf16>
    %convert_element_type3A_519 = arith.truncf %mul3A_511 : vector<256x128xf32> to vector<256x128xbf16>
    %convert_element_type3A_520 = arith.truncf %mul3A_512 : vector<256x128xf32> to vector<256x128xbf16>
    %convert_element_type3A_521 = arith.truncf %mul3A_513 : vector<256x128xf32> to vector<256x128xbf16>
    %concatenate3A_522 = tpu.concatenate %convert_element_type3A_514, %convert_element_type3A_515, %convert_element_type3A_516, %convert_element_type3A_517, %convert_element_type3A_518, %convert_element_type3A_519, %convert_element_type3A_520, %convert_element_type3A_521 in 1 : vector<256x128xbf16>, vector<256x128xbf16>, vector<256x128xbf16>, vector<256x128xbf16>, vector<256x128xbf16>, vector<256x128xbf16>, vector<256x128xbf16>, vector<256x128xbf16> -> vector<256x1024xbf16>
    %dot_general3A_523 = arith.constant dense<0.000000e+00> : vector<256x512xf32>
    %dot_general3A_524 = tpu.matmul %concatenate3A_522, %get3A_1, %dot_general3A_523 {dimension_numbers = #tpu.dot_dimension_numbers<[1], [0], [0], [1], [0, 0, 1, 1], [], []>, transpose_lhs_hint = false} : vector<256x1024xbf16>, vector<1024x512xbf16>, vector<256x512xf32> -> vector<256x512xf32>
    %swap3A_525 = arith.constant 1536 : index
    %swap3A_526 = arith.constant 0 : index
    %swap3A_527 = vector.load %arg3[%swap3A_525, %swap3A_526] : memref<2048x512xf32, #tpu.memory_space<vmem>>, vector<256x512xf32>
    tpu.vector_store %arg3[%swap3A_525, %swap3A_526], %dot_general3A_524 {strides = array<i32>} : memref<2048x512xf32, #tpu.memory_space<vmem>>, vector<256x512xf32>,
    %get3A_528 = arith.constant 1792 : index
    %get3A_529 = arith.constant 0 : index
    %get3A_530 = vector.load %arg1[%get3A_528, %get3A_529] : memref<2048x128xi32, #tpu.memory_space<vmem>>, vector<256x128xi32>
    %and3A_531 = arith.constant 8 : i32
    %and3A_532 = vector.broadcast %and3A_531 : i32 to vector<256x128xi32>
    %and3A_533 = arith.andi %get3A_530, %and3A_532 : vector<256x128xi32>
    %gt3A_534 = arith.constant 0 : i32
    %gt3A_535 = vector.broadcast %gt3A_534 : i32 to vector<256x128xi32>
    %gt3A_536 = arith.cmpi sgt, %and3A_533, %gt3A_535 : vector<256x128xi32>
    %and3A_537 = arith.constant 4 : i32
    %and3A_538 = vector.broadcast %and3A_537 : i32 to vector<256x128xi32>
    %and3A_539 = arith.andi %get3A_530, %and3A_538 : vector<256x128xi32>
    %gt3A_540 = arith.constant 0 : i32
    %gt3A_541 = vector.broadcast %gt3A_540 : i32 to vector<256x128xi32>
    %gt3A_542 = arith.cmpi sgt, %and3A_539, %gt3A_541 : vector<256x128xi32>
    %and3A_543 = arith.constant 2 : i32
    %and3A_544 = vector.broadcast %and3A_543 : i32 to vector<256x128xi32>
    %and3A_545 = arith.andi %get3A_530, %and3A_544 : vector<256x128xi32>
    %gt3A_546 = arith.constant 0 : i32
    %gt3A_547 = vector.broadcast %gt3A_546 : i32 to vector<256x128xi32>
    %gt3A_548 = arith.cmpi sgt, %and3A_545, %gt3A_547 : vector<256x128xi32>
    %and3A_549 = arith.constant 1 : i32
    %and3A_550 = vector.broadcast %and3A_549 : i32 to vector<256x128xi32>
    %and3A_551 = arith.andi %get3A_530, %and3A_550 : vector<256x128xi32>
    %gt3A_552 = arith.constant 0 : i32
    %gt3A_553 = vector.broadcast %gt3A_552 : i32 to vector<256x128xi32>
    %gt3A_554 = arith.cmpi sgt, %and3A_551, %gt3A_553 : vector<256x128xi32>
    %jit3A_555 = arith.constant 1.000000e+00 : f32
    %jit3A_556 = arith.constant -1.000000e+00 : f32
    %broadcast_in_dim3A_557 = vector.broadcast %jit3A_555 : f32 to vector<256x128xf32>
    %broadcast_in_dim3A_558 = vector.broadcast %jit3A_556 : f32 to vector<256x128xf32>
    %select_n3A_559 = arith.select %gt3A_542, %broadcast_in_dim3A_557, %broadcast_in_dim3A_558 : vector<256x128xi1>, vector<256x128xf32>
    %jit3A_560 = arith.constant 1.000000e+00 : f32
    %jit3A_561 = arith.constant -1.000000e+00 : f32
    %broadcast_in_dim3A_562 = vector.broadcast %jit3A_560 : f32 to vector<256x128xf32>
    %broadcast_in_dim3A_563 = vector.broadcast %jit3A_561 : f32 to vector<256x128xf32>
    %select_n3A_564 = arith.select %gt3A_548, %broadcast_in_dim3A_562, %broadcast_in_dim3A_563 : vector<256x128xi1>, vector<256x128xf32>
    %jit3A_565 = arith.constant 1.000000e+00 : f32
    %jit3A_566 = arith.constant -1.000000e+00 : f32
    %broadcast_in_dim3A_567 = vector.broadcast %jit3A_565 : f32 to vector<256x128xf32>
    %broadcast_in_dim3A_568 = vector.broadcast %jit3A_566 : f32 to vector<256x128xf32>
    %select_n3A_569 = arith.select %gt3A_554, %broadcast_in_dim3A_567, %broadcast_in_dim3A_568 : vector<256x128xi1>, vector<256x128xf32>
    %iota3A_570 = tpu.iota {dimensions = array<i32: 1>} : vector<256x128xi32>
    %lt3A_571 = arith.constant 64 : i32
    %lt3A_572 = vector.broadcast %lt3A_571 : i32 to vector<256x128xi32>
    %lt3A_573 = arith.cmpi slt, %iota3A_570, %lt3A_572 : vector<256x128xi32>
    %or3A_574 = arith.ori %lt3A_573, %gt3A_536 : vector<256x128xi1>
    %jit3A_575 = arith.constant 1.000000e+00 : f32
    %jit3A_576 = arith.constant -1.000000e+00 : f32
    %broadcast_in_dim3A_577 = vector.broadcast %jit3A_575 : f32 to vector<256x128xf32>
    %broadcast_in_dim3A_578 = vector.broadcast %jit3A_576 : f32 to vector<256x128xf32>
    %select_n3A_579 = arith.select %or3A_574, %broadcast_in_dim3A_577, %broadcast_in_dim3A_578 : vector<256x128xi1>, vector<256x128xf32>
    %mul3A_580 = arith.mulf %select_n3A_559, %select_n3A_564 : vector<256x128xf32>
    %mul3A_581 = arith.mulf %select_n3A_559, %select_n3A_569 : vector<256x128xf32>
    %mul3A_582 = arith.mulf %select_n3A_564, %select_n3A_569 : vector<256x128xf32>
    %mul3A_583 = arith.mulf %mul3A_580, %select_n3A_569 : vector<256x128xf32>
    %mul3A_584 = arith.mulf %select_n3A_559, %select_n3A_579 : vector<256x128xf32>
    %mul3A_585 = arith.mulf %select_n3A_564, %select_n3A_579 : vector<256x128xf32>
    %mul3A_586 = arith.mulf %mul3A_580, %select_n3A_579 : vector<256x128xf32>
    %mul3A_587 = arith.mulf %select_n3A_569, %select_n3A_579 : vector<256x128xf32>
    %mul3A_588 = arith.mulf %mul3A_581, %select_n3A_579 : vector<256x128xf32>
    %mul3A_589 = arith.mulf %mul3A_582, %select_n3A_579 : vector<256x128xf32>
    %mul3A_590 = arith.mulf %mul3A_583, %select_n3A_579 : vector<256x128xf32>
    %convert_element_type3A_591 = arith.truncf %select_n3A_579 : vector<256x128xf32> to vector<256x128xbf16>
    %convert_element_type3A_592 = arith.truncf %mul3A_584 : vector<256x128xf32> to vector<256x128xbf16>
    %convert_element_type3A_593 = arith.truncf %mul3A_585 : vector<256x128xf32> to vector<256x128xbf16>
    %convert_element_type3A_594 = arith.truncf %mul3A_586 : vector<256x128xf32> to vector<256x128xbf16>
    %convert_element_type3A_595 = arith.truncf %mul3A_587 : vector<256x128xf32> to vector<256x128xbf16>
    %convert_element_type3A_596 = arith.truncf %mul3A_588 : vector<256x128xf32> to vector<256x128xbf16>
    %convert_element_type3A_597 = arith.truncf %mul3A_589 : vector<256x128xf32> to vector<256x128xbf16>
    %convert_element_type3A_598 = arith.truncf %mul3A_590 : vector<256x128xf32> to vector<256x128xbf16>
    %concatenate3A_599 = tpu.concatenate %convert_element_type3A_591, %convert_element_type3A_592, %convert_element_type3A_593, %convert_element_type3A_594, %convert_element_type3A_595, %convert_element_type3A_596, %convert_element_type3A_597, %convert_element_type3A_598 in 1 : vector<256x128xbf16>, vector<256x128xbf16>, vector<256x128xbf16>, vector<256x128xbf16>, vector<256x128xbf16>, vector<256x128xbf16>, vector<256x128xbf16>, vector<256x128xbf16> -> vector<256x1024xbf16>
    %dot_general3A_600 = arith.constant dense<0.000000e+00> : vector<256x512xf32>
    %dot_general3A_601 = tpu.matmul %concatenate3A_599, %get3A_1, %dot_general3A_600 {dimension_numbers = #tpu.dot_dimension_numbers<[1], [0], [0], [1], [0, 0, 1, 1], [], []>, transpose_lhs_hint = false} : vector<256x1024xbf16>, vector<1024x512xbf16>, vector<256x512xf32> -> vector<256x512xf32>
    %swap3A_602 = arith.constant 1792 : index
    %swap3A_603 = arith.constant 0 : index
    %swap3A_604 = vector.load %arg3[%swap3A_602, %swap3A_603] : memref<2048x512xf32, #tpu.memory_space<vmem>>, vector<256x512xf32>
    tpu.vector_store %arg3[%swap3A_602, %swap3A_603], %dot_general3A_601 {strides = array<i32>} : memref<2048x512xf32, #tpu.memory_space<vmem>>, vector<256x512xf32>,
    return
  }
  func.func @transform_0(%arg0: i32) -> (i32, i32) {
    %c0_i32 = arith.constant 0 : i32
    %c0_i32_0 = arith.constant 0 : i32
    return %arg0, %c0_i32 : i32, i32
  }
  func.func @transform_1(%arg0: i32) -> (i32, i32) {
    %c0_i32 = arith.constant 0 : i32
    %c0_i32_0 = arith.constant 0 : i32
    %c0_i32_1 = arith.constant 0 : i32
    return %c0_i32, %c0_i32_0 : i32, i32
  }
  func.func @transform_2(%arg0: i32) -> (i32, i32) {
    %c0_i32 = arith.constant 0 : i32
    %c0_i32_0 = arith.constant 0 : i32
    return %arg0, %c0_i32 : i32, i32
  }
}

</mosaic_0001>

<sc_bundles>
// kernel: kernel.5.cloned.1.call-start
scs
__scs_entry_jumppad:
0x0: {  	(pc) =	sbr.rel $0x88, $3  }
0x1: {  	(tag) =	ssettag $0x0;
	lr =	simm.s32 $0x1  }
0x2: {  	[smem:$0x3F9D] =	sst lr;
	_ =	strace $0xD0000000  }
0x3: {  	_ = 	snop  }
0x4: {  	_ = 	snop  }
0x5: {  	_ = 	snop  }
0x6: {  	_ = 	snop  }
0x7: {  	_ = 	snop  }
__scs_overlays_trampoline_lowered:
0x8: {  	[smem:$0x3FAC] =	sst s0  }
0x9: {  	[smem:$0x3FAD] =	sst s1  }
0xa: {  	[smem:$0x3FAE] =	sst s2  }
0xb: {  	[smem:$0x3FAF] =	sst s3  }
0xc: {  	[smem:$0x3FB0] =	sst s4  }
0xd: {  	[smem:$0x3FB1] =	sst s5  }
0xe: {  	[smem:$0x3FB2] =	sst s6  }
0xf: {  	[smem:$0x3FB3] =	sst s7  }
0x10: {  	[smem:$0x3FB4] =	sst s8  }
0x11: {  	[smem:$0x3FB5] =	sst s9;
	s0 =	simm.s32 @!p0 $0x0  }
0x12: {  	s1 =	sld [smem:$0x3F9B];
	s0 =	simm.s32 @p0 $0x1  }
0x13: {  	[smem:$0x3FB6] =	sst s0;
	s0 =	simm.s32 @!p1 $0x0  }
0x14: {  	s2 =	sld [smem:$0x3F9A];
	s0 =	simm.s32 @p1 $0x1  }
0x15: {  	[smem:$0x3FB7] =	sst s0;
	s0 =	simm.s32 @!p2 $0x0  }
0x16: {  	s3 =	sld [smem:$0x3FDB];
	s0 =	simm.s32 @p2 $0x1  }
0x17: {  	s4 =	simm.s32 $0x1BF5;
	[smem:$0x3FB9] =	sst s0  }
0x18: {  	s0 =	sld [smem:$0x3F9C];
	_ =	swait.ge [sflag:s4], $0x0  }
0x19: {  	s7 =	sld [smem:$0x3F9D]  }
0x1a: {  	s8 =	sadd.s32 $0xFFFFE003, lr  }
0x1b: {  	s9 =	sadd.s32 $0xFFFFFEF7, lr;
	s5 =	simm.s32 $0xFFFFFFFF;
	p2 =	slt.u32 s8, $0xFFFFF086  }
0x1c: {  	p1 =	slt.u32 s9, $0xF7A;
	s5 =	simm.s32 @!p2 $0x0  }
0x1d: {  	s5 =	simm.s32 @p1 $0x1;
	p0 =	seq.s32 s7, s2  }
0x1e: {  	s7 =	smul.u32 @!p0 $0xF7A, s2;
	p2 =	seq.s32 @!p0 s5, $0x0  }
0x1f: {  	s9 =	smul.u32 $0xF7A, s1;
	s8 =	simm.s32 @!p0 $0x1BF5;
	p2 =	por !p2, p0  }
0x20: {  	[sflag:s8] =	ssyncset.s32 @!p0 $0xFFFFF086;
	s6 =	sadd.s32 @!p0 s3, s7;
	s7 =	simm.s32 @!p0 $0x108  }
0x21: {  	s3 =	sadd.s32 s3, s9;
	s6 =	sadd.s32 @!p0 $0x88, s6;
	s7 =	simm.s32 @p2 $0x1082  }
0x22: {  	[simem:s7], [sflag:s8] =	dma.local @!p0 [hbm:s6], $0xF7A  }
0x23: {  	s9 =	sor.u32 $0xD0000000, s2;
	s6 =	simm.s32 $0x108;
	_ =	swait.ge @!p0 [sflag:s8], $0x0  }
0x24: {  	s3 =	sadd.s32 $0x88, s3;
	s6 =	simm.s32 @!p1 $0x1082;
	[sflag:s4] =	ssyncset.s32 $0xFFFFF086  }
0x25: {  	[simem:s6], [sflag:s4] =	dma.local [hbm:s3], $0xF7A  }
0x26: {  	[smem:$0x3F9D] =	sst s1;
	(tag) =	ssettag s2;
	_ =	strace s9  }
0x27: {  	s1 =	sld [smem:$0x3FAD]  }
0x28: {  	s2 =	sld [smem:$0x3FAE]  }
0x29: {  	s4 =	sld [smem:$0x3FB0]  }
0x2a: {  	p0 =	seq.s32 s5, $0x0;
	s5 =	sld [smem:$0x3FB1]  }
0x2b: {  	s6 =	sld [smem:$0x3FB2]  }
0x2c: {  	s7 =	sld [smem:$0x3FB3]  }
0x2d: {  	s3 =	simm.s32 $0x108;
	s8 =	sld [smem:$0x3FB4]  }
0x2e: {  	s3 =	simm.s32 @!p0 $0x1082;
	s9 =	sld [smem:$0x3FB5]  }
0x2f: {  	lr =	sadd.s32 s0, s3;
	s0 =	sld [smem:$0x3FAC]  }
0x30: {  	s3 =	sld [smem:$0x3FAF]  }
0x31: {  	[smem:$0x3FB8] =	sst s10  }
0x32: {  	s10 =	sld [smem:$0x3FB6];
	_ =	sdelay $0x3  }
0x33: {  	p0 =	seq.s32 s10, $0x1;
	s10 =	sld [smem:$0x3FB8];
	_ =	sdelay $0x3  }
0x34: {  	[smem:$0x3FB8] =	sst s10  }
0x35: {  	s10 =	sld [smem:$0x3FB7];
	_ =	sdelay $0x3  }
0x36: {  	p1 =	seq.s32 s10, $0x1;
	s10 =	sld [smem:$0x3FB8];
	_ =	sdelay $0x3  }
0x37: {  	[smem:$0x3FB8] =	sst s10  }
0x38: {  	s10 =	sld [smem:$0x3FB9]  }
0x39: {  	_ = 	snop;
	(pc) =	sbr.ind lr, $3  }
0x3a: {  	_ = 	snop  }
0x3b: {  	_ = 	snop  }
0x3c: {  	p2 =	seq.s32 s10, $0x1;
	s10 =	sld [smem:$0x3FB8]  }
0x3d: {  	_ =	shalt  }
0x3e: {  	_ =	shalt  }
0x3f: {  	_ =	shalt  }
0x40: {  	_ =	shalt  }
0x41: {  	_ =	shalt  }
0x42: {  	_ =	shalt  }
0x43: {  	_ =	shalt  }
0x44: {  	_ =	shalt  }
0x45: {  	_ =	shalt  }
0x46: {  	_ =	shalt  }
0x47: {  	_ =	shalt  }
0x48: {  	_ =	shalt  }
0x49: {  	_ =	shalt  }
0x4a: {  	_ =	shalt  }
0x4b: {  	_ =	shalt  }
0x4c: {  	_ =	shalt  }
0x4d: {  	_ =	shalt  }
0x4e: {  	_ =	shalt  }
0x4f: {  	_ =	shalt  }
0x50: {  	_ =	shalt  }
0x51: {  	_ =	shalt  }
0x52: {  	_ =	shalt  }
0x53: {  	_ =	shalt  }
0x54: {  	_ =	shalt  }
0x55: {  	_ =	shalt  }
0x56: {  	_ =	shalt  }
0x57: {  	_ =	shalt  }
0x58: {  	_ =	shalt  }
0x59: {  	_ =	shalt  }
0x5a: {  	_ =	shalt  }
0x5b: {  	_ =	shalt  }
0x5c: {  	_ =	shalt  }
0x5d: {  	_ =	shalt  }
0x5e: {  	_ =	shalt  }
0x5f: {  	_ =	shalt  }
0x60: {  	_ =	shalt  }
0x61: {  	_ =	shalt  }
0x62: {  	_ =	shalt  }
0x63: {  	_ =	shalt  }
0x64: {  	_ =	shalt  }
0x65: {  	_ =	shalt  }
0x66: {  	_ =	shalt  }
0x67: {  	_ =	shalt  }
0x68: {  	_ =	shalt  }
0x69: {  	_ =	shalt  }
0x6a: {  	_ =	shalt  }
0x6b: {  	_ =	shalt  }
0x6c: {  	_ =	shalt  }
0x6d: {  	_ =	shalt  }
0x6e: {  	_ =	shalt  }
0x6f: {  	_ =	shalt  }
0x70: {  	_ =	shalt  }
0x71: {  	_ =	shalt  }
0x72: {  	_ =	shalt  }
0x73: {  	_ =	shalt  }
0x74: {  	_ =	shalt  }
0x75: {  	_ =	shalt  }
0x76: {  	_ =	shalt  }
0x77: {  	_ =	shalt  }
0x78: {  	_ =	shalt  }
0x79: {  	_ =	shalt  }
0x7a: {  	_ =	shalt  }
0x7b: {  	_ =	shalt  }
0x7c: {  	_ =	shalt  }
0x7d: {  	_ =	shalt  }
0x7e: {  	_ =	shalt  }
0x7f: {  	_ =	shalt  }
0x80: {  	_ =	shalt  }
0x81: {  	_ =	shalt  }
0x82: {  	_ =	shalt  }
0x83: {  	_ =	shalt  }
0x84: {  	_ =	shalt  }
0x85: {  	_ =	shalt  }
0x86: {  	_ =	shalt  }
0x87: {  	_ =	shalt  }
.Lfunc_end0:
.L_simem_size_0:
called_computation_lowered:
.L_overlay_start_0:
0x88: {  	s2 =	sld [smem:$0x3FD9]  }
0x89: {  	s3 =	sld [smem:$0x3FFE];
	_ =	sdelay $0x1  }
0x8a: {  	s1 =	srdreg.scid  }
0x8b: {  	s0 =	sand.u32 $0x1, s1  }
0x8c: {  	s17 =	sshll.u32 s0, $0xA;
	s2 =	sadd.s32 s3, s2  }
0x8d: {  	s2 =	sadd.s32 s2, s17  }
0x8e: {  	[smem:$0x3FC4] =	sst s2  }
0x8f: {  	_ = 	snop  }
0x90: {  	s2 =	sld [smem:$0x3FD0];
	(tm) =	ssettm $0x1  }
0x91: {  	s18 =	sld [smem:$0x3FFB];
	_ =	sdelay $0x3  }
0x92: {  	_ =	strace s18  }
0x93: {  	s3 =	sld [smem:$0x3FFC];
	_ =	sdelay $0x3  }
0x94: {  	_ =	strace s3  }
0x95: {  	s3 =	sld [smem:$0x3FFD];
	_ =	sdelay $0x3  }
0x96: {  	_ =	strace s3  }
0x97: {  	_ =	strace $0x8FFFFFFF  }
0x98: {  	s19 =	sld [smem:$0x3FDB];
	_ =	sdelay $0x1  }
0x99: {  	s4 =	simm.s32 $_scs_section_size  }
0x9a: {  	s5 =	simm.s32 $_size__tile_overlayer_lowered;
	s6 =	simm.s32 $_tile_overlayer_lowered  }
0x9b: {  	s22 =	simm.s32 $0x1BFF;
	s21 =	sshll.u32 s6, $0x1;
	s3 =	sadd.s32 s4, s19  }
0x9c: {  	s7 =	simm.s32 $0x0;
	s20 =	sshll.u32 s5, $0x1;
	s5 =	sadd.s32 s21, s3  }
0x9d: {  	[timem:s7], [sflag:s22] =	dma.local [hbm:s5], s20  }
0x9e: {  	_ =	swait.ge [sflag:s22], s20  }
0x9f: {  	s4 =	ssub.s32 $0x0, s20;
	[sflag:s22] =	ssyncset.done $0x0  }
0xa0: {  	[sflag:s22] =	ssyncadd.s32 s4;
	_ =	sdelay $0x1  }
0xa1: {  	s23 =	simm.s32 $0x1B8B  }
0xa2: {  	_ =	swait.ge [sflag:s23], $0x1  }
0xa3: {  	[sflag:s23] =	ssyncset.done $0x0  }
0xa4: {  	s25 =	simm.s32 $0x1B8E;
	s24 =	sld [smem:$0x3FFE];
	[sflag:s23] =	ssyncadd.s32 $0xFFFFFFFF  }
0xa5: {  	s26 =	simm.s32 $execute0_lowered;
	[smem:$0x3FD2] =	sst s25  }
0xa6: {  	s5 =	sshll.u32 s26, $0x1;
	_ =	strace $0x80000046;
	[dreg:$0x1] =	wrdreg $0xFFFFFFFF  }
0xa7: {  	s28 =	simm.s32 $_size_execute0_lowered;
	s3 =	sadd.s32 s3, s5;
	[dreg:$0x0] =	wrdreg $0x0  }
0xa8: {  	s5 =	sshll.u32 s28, $0x1;
	[dreg:$0x2] =	wrdreg s3  }
0xa9: {  	[dreg:$0x3] =	wrdreg s5  }
0xaa: {  	[dreg:$0x4] =	wrdreg $0xC0  }
0xab: {  	_ =	task [dreg:s7], $0x5FFFF  }
0xac: {  	[dreg:$0x1] =	wrdreg $0xFFFFFFFF  }
0xad: {  	[dreg:$0x0] =	wrdreg $0x60  }
0xae: {  	[dreg:$0x2] =	wrdreg s2  }
0xaf: {  	[dreg:$0x3] =	wrdreg s24  }
0xb0: {  	[dreg:$0x4] =	wrdreg $0x9  }
0xb1: {  	_ =	task.clear_ibuf [dreg:s7], $0x5FFFF;
	_ =	strace $0x90000046  }
0xb2: {  	s29 =	simm.s32 $0x9;
	_ =	strace $0x80000048  }
0xb3: {  	_ =	swait.ge [sflag:s29], $0x1  }
0xb4: {  	[sflag:s29] =	ssyncadd.s32 $0xFFFFFFFF  }
0xb5: {  	_ =	strace $0x90000048  }
0xb6: {  	_ =	sfence  }
0xb7: {  	s30 =	sld [smem:$0x0];
	_ =	sdelay $0x2  }
0xb8: {  	s31 =	sshll.u32 s1, $0xD;
	s1 =	sshrl.u32 s1, $0x2  }
0xb9: {  	s3 =	sand.u32 $0x4000, s31;
	s1 =	sadd.s32 s1, s30  }
0xba: {  	s0 =	sor.u32 s3, s0;
	s1 =	sshll.u32 s1, $0x11  }
0xbb: {  	s0 =	sor.u32 s1, s0  }
0xbc: {  	s0 =	sadd.s32 $0x8F2B, s0  }
0xbd: {  	[sflag:s0] =	ssyncadd.remote.s32 $0x1  }
0xbe: {  	_ =	sfence.sel $0xFFFF  }
0xbf: {  	[dreg:$0x0] =	wrdreg $0xFFFFFFFF;
	(pc) =	sbr.abs _section_cstart, $3  }
0xc0: {  	[dreg:$0x1] =	wrdreg $0xFFFFFFFF  }
0xc1: {  	_ =	task.clear_ibuf [dreg:s7], $0x2FFFF;
	_ =	strace $0x9FFFFFFF  }
0xc2: {  	(tm) =	ssettm $0x7FFFFFFF  }
0xc3: {  	_ =	shalt  }
tec
execute0_lowered:
.L_overlay_start_1:
0x0: {  	(tag) =	ssettag $0x1  }
0x1: {  	s4 =	rddreg [dreg:$0x0]  }
0x2: {  	s5 =	rddreg [dreg:$0x1]  }
0x3: {  	s0 =	rddreg [dreg:$0x2];
	s2 =	simm.s32 $0x0;
	s3 =	srdreg.scid  }
0x4: {  	s1 =	stileid.u32;
	s10 =	simm.s32 $0x0;
	s6 =	sand.u32 $0x1, s3  }
0x5: {  	[smem:$0x7FF] =	sst s2;
	s7 =	sshll.u32 s1, $0x9;
	s8 =	sshll.u32 s6, $0x8  }
0x6: {  	s3 =	sadd.s32 $0xC00, s5;
	s6 =	ssub.s32 $0x2, s6;
	s7 =	sor.u32 s8, s7  }
0x7: {  	_ =	strace $0x80000047;
	s9 =	sshrl.u32 s6, $0x1;
	s8 =	sshll.u32 s7, $0x4  }
0x8: {  	s7 =	sshll.u32 s7, $0x5;
	s6 =	ssub.s32 s6, s9;
	s9 =	simm.s32 $0x10400  }
0x9: {  	s5 =	sadd.s32 s8, s5;
	s4 =	sadd.s32 s4, s7;
	s6 =	smax.u32 s6, $0x1  }
0xa: {  	v0 =	vimm.s32 $0x0;
	s7 =	simm.s32 $0x1;
	s8 =	simm.s32 $0x10000;
	s5 =	sadd.s32 $0xE00, s5  }
.LBB2_1:
0xb: {  	[tilespmem:s2], [sflag:$0x1] =	stream.linear.gather [hbm4b:s4+s2], $0x10000, $0x38;
	[tilespmem:$0x18400] =	vst v63  }
0xc: {  	_ =	swait.ge [sflag:s7], $0x10000  }
0xd: {  	[sflag:s7] =	ssyncset.done $0x0  }
0xe: {  	[sflag:s7] =	ssyncadd.s32 $0xFFFF0000  }
0xf: {  	[tilespmem:s8], [sflag:$0x1] =	stream.linear.gather [hbm4b:s3+s2], $0x400, $0x38;
	[tilespmem:$0x18400] =	vst v63  }
0x10: {  	_ =	swait.ge [sflag:s7], $0x400  }
0x11: {  	[sflag:s7] =	ssyncset.done $0x0  }
0x12: {  	[sflag:s7] =	ssyncadd.s32 $0xFFFFFC00  }
0x13: {  	v4 =	vld [tilespmem:$0x10000]  }
0x14: {  	v5 =	vld [tilespmem:$0x10040]  }
0x15: {  	v7 =	vld [tilespmem:$0x10080]  }
0x16: {  	v3 =	vld [tilespmem:$0x100C0]  }
0x17: {  	v6 =	vld [tilespmem:$0x10100]  }
0x18: {  	v9 =	vld [tilespmem:$0x10140]  }
0x19: {  	v10 =	vld [tilespmem:$0x10180]  }
0x1a: {  	v1 =	vld [tilespmem:$0x101C0]  }
0x1b: {  	s11 =	sand.u32 $0xF800, s2;
	s12 =	sand.u32 $0x380, s2;
	v2 =	vld [tilespmem:$0x10200]  }
0x1c: {  	s11 =	sor.u32 s12, s11;
	v8 =	vld [tilespmem:$0x10240]  }
0x1d: {  	v14 =	vld [tilespmem:s11+$0x0]  }
0x1e: {  	v11 =	vld [tilespmem:$0x10280]  }
0x1f: {  	v16 =	vld [tilespmem:s11+$0x40]  }
0x20: {  	v12 =	vld [tilespmem:$0x102C0]  }
0x21: {  	v13 =	vld [tilespmem:$0x10340]  }
0x22: {  	v17 =	vld [tilespmem:s11+$0x400];
	vm0 =	vgt.f32 v14, v4  }
0x23: {  	v14 =	vld [tilespmem:$0x10380];
	v18 =	vsel vm0, v7, v5  }
0x24: {  	v15 =	vld [tilespmem:$0x10300];
	vm1 =	vgt.f32 v16, v18  }
0x25: {  	v16 =	vsel vm1, v10, v9;
	v18 =	vsel vm1, v6, v3  }
0x26: {  	v16 =	vsel vm0, v16, v18  }
0x27: {  	v62 =	vld [tilespmem:s11+$0x440];
	vm2 =	vgt.f32 v17, v16  }
0x28: {  	v16 =	vsel vm2, v14, v13  }
0x29: {  	v17 =	vsel vm2, v15, v12;
	v19 =	vsel vm2, v11, v8;
	v20 =	vsel vm2, v2, v1  }
0x2a: {  	v16 =	vsel vm1, v16, v17;
	v17 =	vsel vm1, v19, v20  }
0x2b: {  	v63 =	vsel vm1, $0x4, v0;
	v16 =	vsel vm0, v16, v17;
	v17 =	vsel vm0, $0x8, v0  }
0x2c: {  	vm15 =	vgt.f32 v62, v16;
	v16 =	vor.u32 v17, v63;
	v17 =	vsel vm2, $0x2, v0  }
0x2d: {  	v16 =	vor.u32 v17, v16;
	v17 =	vsel vm15, $0x1, v0  }
0x2e: {  	s13 =	simm.s32 $0x100;
	s12 =	simm.s32 $0x80;
	s11 =	simm.s32 $0x10440;
	v16 =	vor.u32 v17, v16  }
0x2f: {  	s13 =	sand.u32 $0xF800, s13;
	s14 =	sand.u32 $0x380, s12;
	[tilespmem:s11+$0x0] =	vst v16  }
0x30: {  	s14 =	sor.u32 s14, s13;
	s13 =	simm.s32 $0x200;
	[tilespmem:s11+$0xFFFFFFC0] =	vst v16  }
.LBB2_2:
0x31: {  	p0 =	sne.s32 s13, $0xFF00;
	v16 =	vld [tilespmem:s14+$0x0]  }
0x32: {  	v17 =	vld [tilespmem:s14+$0x40]  }
0x33: {  	v18 =	vld [tilespmem:s14+$0x400]  }
0x34: {  	v19 =	vld [tilespmem:s14+$0x440];
	_ =	sdelay $0x1  }
0x35: {  	vm0 =	vgt.f32 v16, v4  }
0x36: {  	v16 =	vsel vm0, v7, v5  }
0x37: {  	vm1 =	vgt.f32 v17, v16  }
0x38: {  	v16 =	vsel vm1, v10, v9;
	v17 =	vsel vm1, v6, v3  }
0x39: {  	v16 =	vsel vm0, v16, v17  }
0x3a: {  	vm2 =	vgt.f32 v18, v16  }
0x3b: {  	v16 =	vsel vm2, v14, v13  }
0x3c: {  	v17 =	vsel vm2, v15, v12;
	v18 =	vsel vm2, v11, v8;
	v20 =	vsel vm2, v2, v1  }
0x3d: {  	v16 =	vsel vm1, v16, v17;
	v17 =	vsel vm1, v18, v20  }
0x3e: {  	v18 =	vsel vm1, $0x4, v0;
	v16 =	vsel vm0, v16, v17;
	v17 =	vsel vm0, $0x8, v0  }
.Ltmp0:
0x3f: {  	vm0 =	vgt.f32 v19, v16;
	v16 =	vor.u32 v17, v18;
	v17 =	vsel vm2, $0x2, v0;
	(pc) =	sbr.rel @p0 .LBB2_2-.Ltmp0, $4  }
0x40: {  	v16 =	vor.u32 v17, v16;
	v17 =	vsel vm0, $0x1, v0  }
0x41: {  	s12 =	sadd.s32 $0x80, s12;
	s11 =	sadd.s32 $0x80, s11;
	v16 =	vor.u32 v17, v16  }
0x42: {  	s15 =	sand.u32 $0x380, s12;
	s14 =	sand.u32 $0xF800, s13;
	[tilespmem:s11+$0x0] =	vst v16  }
0x43: {  	s13 =	sadd.s32 $0x100, s13;
	s14 =	sor.u32 s15, s14;
	[tilespmem:s11+$0xFFFFFFC0] =	vst v16  }
0x44: {  	v16 =	vld [tilespmem:s14+$0x0];
	_ =	sdelay $0x1  }
0x45: {  	v17 =	vld [tilespmem:s14+$0x40];
	_ =	sdelay $0x2  }
0x46: {  	v18 =	vld [tilespmem:s14+$0x400];
	vm0 =	vgt.f32 v16, v4  }
0x47: {  	v4 =	vsel vm0, v7, v5  }
0x48: {  	vm1 =	vgt.f32 v17, v4  }
0x49: {  	v4 =	vsel vm1, v10, v9;
	v3 =	vsel vm1, v6, v3  }
0x4a: {  	v3 =	vsel vm0, v4, v3  }
0x4b: {  	v4 =	vld [tilespmem:s14+$0x440];
	vm2 =	vgt.f32 v18, v3  }
0x4c: {  	v3 =	vsel vm2, v14, v13  }
0x4d: {  	v5 =	vsel vm2, v15, v12;
	v6 =	vsel vm2, v11, v8;
	v1 =	vsel vm2, v2, v1  }
0x4e: {  	v2 =	vsel vm1, v3, v5;
	v1 =	vsel vm1, v6, v1  }
0x4f: {  	v3 =	vsel vm1, $0x4, v0;
	v1 =	vsel vm0, v2, v1;
	v2 =	vsel vm0, $0x8, v0  }
0x50: {  	vm11 =	vgt.f32 v4, v1;
	v1 =	vor.u32 v2, v3;
	v2 =	vsel vm2, $0x2, v0  }
0x51: {  	v1 =	vor.u32 v2, v1;
	v2 =	vsel vm11, $0x1, v0  }
0x52: {  	s11 =	sadd.s32 $0x80, s11;
	v1 =	vor.u32 v2, v1  }
0x53: {  	[tilespmem:s11+$0x0] =	vst v1  }
0x54: {  	[tilespmem:s11+$0xFFFFFFC0] =	vst v1  }
0x55: {  	v4 =	vld [tilespmem:$0x10010]  }
0x56: {  	v5 =	vld [tilespmem:$0x10050]  }
0x57: {  	v7 =	vld [tilespmem:$0x10090]  }
0x58: {  	v3 =	vld [tilespmem:$0x100D0]  }
0x59: {  	v6 =	vld [tilespmem:$0x10110]  }
0x5a: {  	v8 =	vld [tilespmem:$0x10150]  }
0x5b: {  	v10 =	vld [tilespmem:$0x10190]  }
0x5c: {  	s30 =	simm.s32 $0x0;
	v1 =	vld [tilespmem:$0x101D0]  }
0x5d: {  	s12 =	sand.u32 $0xF800, s30;
	s11 =	sand.u32 $0x380, s30;
	v2 =	vld [tilespmem:$0x10210]  }
0x5e: {  	v9 =	vld [tilespmem:$0x10250];
	s11 =	sor.u32 s11, s12  }
0x5f: {  	v14 =	vld [tilespmem:s11+$0x10]  }
0x60: {  	v11 =	vld [tilespmem:$0x10290]  }
0x61: {  	v16 =	vld [tilespmem:s11+$0x50]  }
0x62: {  	v12 =	vld [tilespmem:$0x102D0]  }
0x63: {  	v13 =	vld [tilespmem:$0x10350]  }
0x64: {  	v17 =	vld [tilespmem:s11+$0x410];
	vm12 =	vgt.f32 v14, v4  }
0x65: {  	v14 =	vld [tilespmem:$0x10390];
	v61 =	vsel vm12, v7, v5  }
0x66: {  	v15 =	vld [tilespmem:$0x10310];
	vm13 =	vgt.f32 v16, v61  }
0x67: {  	v16 =	vsel vm13, v10, v8;
	v18 =	vsel vm13, v6, v3  }
0x68: {  	v16 =	vsel vm12, v16, v18  }
0x69: {  	v62 =	vld [tilespmem:s11+$0x450];
	vm14 =	vgt.f32 v17, v16  }
0x6a: {  	v16 =	vsel vm14, v14, v13  }
0x6b: {  	v17 =	vsel vm14, v15, v12;
	v19 =	vsel vm14, v11, v9;
	v20 =	vsel vm14, v2, v1  }
0x6c: {  	v16 =	vsel vm13, v16, v17;
	v17 =	vsel vm13, v19, v20  }
0x6d: {  	v63 =	vsel vm13, $0x4, v0;
	v16 =	vsel vm12, v16, v17;
	v17 =	vsel vm12, $0x8, v0  }
0x6e: {  	vm15 =	vgt.f32 v62, v16;
	v16 =	vor.u32 v17, v63;
	v17 =	vsel vm14, $0x2, v0  }
0x6f: {  	v16 =	vor.u32 v17, v16;
	v17 =	vsel vm15, $0x1, v0  }
0x70: {  	s13 =	simm.s32 $0x100;
	s12 =	simm.s32 $0x80;
	s11 =	simm.s32 $0x10450;
	v16 =	vor.u32 v17, v16  }
0x71: {  	s13 =	sand.u32 $0xF800, s13;
	s31 =	sand.u32 $0x380, s12;
	[tilespmem:s11+$0x0] =	vst v16  }
0x72: {  	s14 =	sor.u32 s31, s13;
	s13 =	simm.s32 $0x200;
	[tilespmem:s11+$0xFFFFFFC0] =	vst v16  }
.LBB2_4:
0x73: {  	p0 =	sne.s32 s13, $0xFF00;
	v16 =	vld [tilespmem:s14+$0x10]  }
0x74: {  	v17 =	vld [tilespmem:s14+$0x50]  }
0x75: {  	v18 =	vld [tilespmem:s14+$0x410]  }
0x76: {  	v19 =	vld [tilespmem:s14+$0x450];
	_ =	sdelay $0x1  }
0x77: {  	vm0 =	vgt.f32 v16, v4  }
0x78: {  	v16 =	vsel vm0, v7, v5  }
0x79: {  	vm1 =	vgt.f32 v17, v16  }
0x7a: {  	v16 =	vsel vm1, v10, v8;
	v17 =	vsel vm1, v6, v3  }
0x7b: {  	v16 =	vsel vm0, v16, v17  }
0x7c: {  	vm2 =	vgt.f32 v18, v16  }
0x7d: {  	v16 =	vsel vm2, v14, v13  }
0x7e: {  	v17 =	vsel vm2, v15, v12;
	v18 =	vsel vm2, v11, v9;
	v20 =	vsel vm2, v2, v1  }
0x7f: {  	v16 =	vsel vm1, v16, v17;
	v17 =	vsel vm1, v18, v20  }
0x80: {  	v18 =	vsel vm1, $0x4, v0;
	v16 =	vsel vm0, v16, v17;
	v17 =	vsel vm0, $0x8, v0  }
.Ltmp1:
0x81: {  	vm0 =	vgt.f32 v19, v16;
	v16 =	vor.u32 v17, v18;
	v17 =	vsel vm2, $0x2, v0;
	(pc) =	sbr.rel @p0 .LBB2_4-.Ltmp1, $4  }
0x82: {  	v16 =	vor.u32 v17, v16;
	v17 =	vsel vm0, $0x1, v0  }
0x83: {  	s12 =	sadd.s32 $0x80, s12;
	s11 =	sadd.s32 $0x80, s11;
	v16 =	vor.u32 v17, v16  }
0x84: {  	s15 =	sand.u32 $0x380, s12;
	s14 =	sand.u32 $0xF800, s13;
	[tilespmem:s11+$0x0] =	vst v16  }
0x85: {  	s13 =	sadd.s32 $0x100, s13;
	s14 =	sor.u32 s15, s14;
	[tilespmem:s11+$0xFFFFFFC0] =	vst v16  }
0x86: {  	v16 =	vld [tilespmem:s14+$0x10];
	_ =	sdelay $0x1  }
0x87: {  	v17 =	vld [tilespmem:s14+$0x50];
	_ =	sdelay $0x2  }
0x88: {  	v18 =	vld [tilespmem:s14+$0x410];
	vm0 =	vgt.f32 v16, v4  }
0x89: {  	v4 =	vsel vm0, v7, v5  }
0x8a: {  	vm1 =	vgt.f32 v17, v4  }
0x8b: {  	v4 =	vsel vm1, v10, v8;
	v3 =	vsel vm1, v6, v3  }
0x8c: {  	v3 =	vsel vm0, v4, v3  }
0x8d: {  	v4 =	vld [tilespmem:s14+$0x450];
	vm2 =	vgt.f32 v18, v3  }
0x8e: {  	v3 =	vsel vm2, v14, v13  }
0x8f: {  	v5 =	vsel vm2, v15, v12;
	v6 =	vsel vm2, v11, v9;
	v1 =	vsel vm2, v2, v1  }
0x90: {  	v2 =	vsel vm1, v3, v5;
	v1 =	vsel vm1, v6, v1  }
0x91: {  	v3 =	vsel vm1, $0x4, v0;
	v1 =	vsel vm0, v2, v1;
	v2 =	vsel vm0, $0x8, v0  }
0x92: {  	vm11 =	vgt.f32 v4, v1;
	v1 =	vor.u32 v2, v3;
	v2 =	vsel vm2, $0x2, v0  }
0x93: {  	v1 =	vor.u32 v2, v1;
	v2 =	vsel vm11, $0x1, v0  }
0x94: {  	s11 =	sadd.s32 $0x80, s11;
	v1 =	vor.u32 v2, v1  }
0x95: {  	[tilespmem:s11+$0x0] =	vst v1  }
0x96: {  	[tilespmem:s11+$0xFFFFFFC0] =	vst v1  }
0x97: {  	v4 =	vld [tilespmem:$0x10020]  }
0x98: {  	v5 =	vld [tilespmem:$0x10060]  }
0x99: {  	v7 =	vld [tilespmem:$0x100A0]  }
0x9a: {  	v3 =	vld [tilespmem:$0x100E0]  }
0x9b: {  	v6 =	vld [tilespmem:$0x10120]  }
0x9c: {  	v8 =	vld [tilespmem:$0x10160]  }
0x9d: {  	v10 =	vld [tilespmem:$0x101A0]  }
0x9e: {  	s30 =	simm.s32 $0x0;
	v1 =	vld [tilespmem:$0x101E0]  }
0x9f: {  	s12 =	sand.u32 $0xF800, s30;
	s11 =	sand.u32 $0x380, s30;
	v2 =	vld [tilespmem:$0x10220]  }
0xa0: {  	v9 =	vld [tilespmem:$0x10260];
	s11 =	sor.u32 s11, s12  }
0xa1: {  	v14 =	vld [tilespmem:s11+$0x20]  }
0xa2: {  	v11 =	vld [tilespmem:$0x102A0]  }
0xa3: {  	v16 =	vld [tilespmem:s11+$0x60]  }
0xa4: {  	v12 =	vld [tilespmem:$0x102E0]  }
0xa5: {  	v13 =	vld [tilespmem:$0x10360]  }
0xa6: {  	v17 =	vld [tilespmem:s11+$0x420];
	vm12 =	vgt.f32 v14, v4  }
0xa7: {  	v14 =	vld [tilespmem:$0x103A0];
	v61 =	vsel vm12, v7, v5  }
0xa8: {  	v15 =	vld [tilespmem:$0x10320];
	vm13 =	vgt.f32 v16, v61  }
0xa9: {  	v16 =	vsel vm13, v10, v8;
	v18 =	vsel vm13, v6, v3  }
0xaa: {  	v16 =	vsel vm12, v16, v18  }
0xab: {  	v62 =	vld [tilespmem:s11+$0x460];
	vm14 =	vgt.f32 v17, v16  }
0xac: {  	v16 =	vsel vm14, v14, v13  }
0xad: {  	v17 =	vsel vm14, v15, v12;
	v19 =	vsel vm14, v11, v9;
	v20 =	vsel vm14, v2, v1  }
0xae: {  	v16 =	vsel vm13, v16, v17;
	v17 =	vsel vm13, v19, v20  }
0xaf: {  	v63 =	vsel vm13, $0x4, v0;
	v16 =	vsel vm12, v16, v17;
	v17 =	vsel vm12, $0x8, v0  }
0xb0: {  	vm15 =	vgt.f32 v62, v16;
	v16 =	vor.u32 v17, v63;
	v17 =	vsel vm14, $0x2, v0  }
0xb1: {  	v16 =	vor.u32 v17, v16;
	v17 =	vsel vm15, $0x1, v0  }
0xb2: {  	s13 =	simm.s32 $0x100;
	s12 =	simm.s32 $0x80;
	s11 =	simm.s32 $0x10460;
	v16 =	vor.u32 v17, v16  }
0xb3: {  	s13 =	sand.u32 $0xF800, s13;
	s31 =	sand.u32 $0x380, s12;
	[tilespmem:s11+$0x0] =	vst v16  }
0xb4: {  	s14 =	sor.u32 s31, s13;
	s13 =	simm.s32 $0x200;
	[tilespmem:s11+$0xFFFFFFC0] =	vst v16  }
.LBB2_6:
0xb5: {  	p0 =	sne.s32 s13, $0xFF00;
	v16 =	vld [tilespmem:s14+$0x20]  }
0xb6: {  	v17 =	vld [tilespmem:s14+$0x60]  }
0xb7: {  	v18 =	vld [tilespmem:s14+$0x420]  }
0xb8: {  	v19 =	vld [tilespmem:s14+$0x460];
	_ =	sdelay $0x1  }
0xb9: {  	vm0 =	vgt.f32 v16, v4  }
0xba: {  	v16 =	vsel vm0, v7, v5  }
0xbb: {  	vm1 =	vgt.f32 v17, v16  }
0xbc: {  	v16 =	vsel vm1, v10, v8;
	v17 =	vsel vm1, v6, v3  }
0xbd: {  	v16 =	vsel vm0, v16, v17  }
0xbe: {  	vm2 =	vgt.f32 v18, v16  }
0xbf: {  	v16 =	vsel vm2, v14, v13  }
0xc0: {  	v17 =	vsel vm2, v15, v12;
	v18 =	vsel vm2, v11, v9;
	v20 =	vsel vm2, v2, v1  }
0xc1: {  	v16 =	vsel vm1, v16, v17;
	v17 =	vsel vm1, v18, v20  }
0xc2: {  	v18 =	vsel vm1, $0x4, v0;
	v16 =	vsel vm0, v16, v17;
	v17 =	vsel vm0, $0x8, v0  }
.Ltmp2:
0xc3: {  	vm0 =	vgt.f32 v19, v16;
	v16 =	vor.u32 v17, v18;
	v17 =	vsel vm2, $0x2, v0;
	(pc) =	sbr.rel @p0 .LBB2_6-.Ltmp2, $4  }
0xc4: {  	v16 =	vor.u32 v17, v16;
	v17 =	vsel vm0, $0x1, v0  }
0xc5: {  	s12 =	sadd.s32 $0x80, s12;
	s11 =	sadd.s32 $0x80, s11;
	v16 =	vor.u32 v17, v16  }
0xc6: {  	s15 =	sand.u32 $0x380, s12;
	s14 =	sand.u32 $0xF800, s13;
	[tilespmem:s11+$0x0] =	vst v16  }
0xc7: {  	s13 =	sadd.s32 $0x100, s13;
	s14 =	sor.u32 s15, s14;
	[tilespmem:s11+$0xFFFFFFC0] =	vst v16  }
0xc8: {  	v16 =	vld [tilespmem:s14+$0x20];
	_ =	sdelay $0x1  }
0xc9: {  	v17 =	vld [tilespmem:s14+$0x60];
	_ =	sdelay $0x2  }
0xca: {  	v18 =	vld [tilespmem:s14+$0x420];
	vm0 =	vgt.f32 v16, v4  }
0xcb: {  	v4 =	vsel vm0, v7, v5  }
0xcc: {  	vm1 =	vgt.f32 v17, v4  }
0xcd: {  	v4 =	vsel vm1, v10, v8;
	v3 =	vsel vm1, v6, v3  }
0xce: {  	v3 =	vsel vm0, v4, v3  }
0xcf: {  	v4 =	vld [tilespmem:s14+$0x460];
	vm2 =	vgt.f32 v18, v3  }
0xd0: {  	v3 =	vsel vm2, v14, v13  }
0xd1: {  	v5 =	vsel vm2, v15, v12;
	v6 =	vsel vm2, v11, v9;
	v1 =	vsel vm2, v2, v1  }
0xd2: {  	v2 =	vsel vm1, v3, v5;
	v1 =	vsel vm1, v6, v1  }
0xd3: {  	v3 =	vsel vm1, $0x4, v0;
	v1 =	vsel vm0, v2, v1;
	v2 =	vsel vm0, $0x8, v0  }
0xd4: {  	vm11 =	vgt.f32 v4, v1;
	v1 =	vor.u32 v2, v3;
	v2 =	vsel vm2, $0x2, v0  }
0xd5: {  	v1 =	vor.u32 v2, v1;
	v2 =	vsel vm11, $0x1, v0  }
0xd6: {  	s11 =	sadd.s32 $0x80, s11;
	v1 =	vor.u32 v2, v1  }
0xd7: {  	[tilespmem:s11+$0x0] =	vst v1  }
0xd8: {  	[tilespmem:s11+$0xFFFFFFC0] =	vst v1  }
0xd9: {  	v4 =	vld [tilespmem:$0x10030]  }
0xda: {  	v5 =	vld [tilespmem:$0x10070]  }
0xdb: {  	v7 =	vld [tilespmem:$0x100B0]  }
0xdc: {  	v3 =	vld [tilespmem:$0x100F0]  }
0xdd: {  	v6 =	vld [tilespmem:$0x10130]  }
0xde: {  	v8 =	vld [tilespmem:$0x10170]  }
0xdf: {  	v10 =	vld [tilespmem:$0x101B0]  }
0xe0: {  	s30 =	simm.s32 $0x0;
	v1 =	vld [tilespmem:$0x101F0]  }
0xe1: {  	s12 =	sand.u32 $0xF800, s30;
	s11 =	sand.u32 $0x380, s30;
	v2 =	vld [tilespmem:$0x10230]  }
0xe2: {  	v9 =	vld [tilespmem:$0x10270];
	s11 =	sor.u32 s11, s12  }
0xe3: {  	v14 =	vld [tilespmem:s11+$0x30]  }
0xe4: {  	v11 =	vld [tilespmem:$0x102B0]  }
0xe5: {  	v16 =	vld [tilespmem:s11+$0x70]  }
0xe6: {  	v12 =	vld [tilespmem:$0x102F0]  }
0xe7: {  	v13 =	vld [tilespmem:$0x10370]  }
0xe8: {  	v17 =	vld [tilespmem:s11+$0x430];
	vm12 =	vgt.f32 v14, v4  }
0xe9: {  	v14 =	vld [tilespmem:$0x103B0];
	v61 =	vsel vm12, v7, v5  }
0xea: {  	v15 =	vld [tilespmem:$0x10330];
	vm13 =	vgt.f32 v16, v61  }
0xeb: {  	v16 =	vsel vm13, v10, v8;
	v18 =	vsel vm13, v6, v3  }
0xec: {  	v16 =	vsel vm12, v16, v18  }
0xed: {  	v62 =	vld [tilespmem:s11+$0x470];
	vm14 =	vgt.f32 v17, v16  }
0xee: {  	v16 =	vsel vm14, v14, v13  }
0xef: {  	v17 =	vsel vm14, v15, v12;
	v19 =	vsel vm14, v11, v9;
	v20 =	vsel vm14, v2, v1  }
0xf0: {  	v16 =	vsel vm13, v16, v17;
	v17 =	vsel vm13, v19, v20  }
0xf1: {  	v63 =	vsel vm13, $0x4, v0;
	v16 =	vsel vm12, v16, v17;
	v17 =	vsel vm12, $0x8, v0  }
0xf2: {  	vm15 =	vgt.f32 v62, v16;
	v16 =	vor.u32 v17, v63;
	v17 =	vsel vm14, $0x2, v0  }
0xf3: {  	v16 =	vor.u32 v17, v16;
	v17 =	vsel vm15, $0x1, v0  }
0xf4: {  	s13 =	simm.s32 $0x100;
	s12 =	simm.s32 $0x80;
	s11 =	simm.s32 $0x10470;
	v16 =	vor.u32 v17, v16  }
0xf5: {  	s13 =	sand.u32 $0xF800, s13;
	s31 =	sand.u32 $0x380, s12;
	[tilespmem:s11+$0x0] =	vst v16  }
0xf6: {  	s14 =	sor.u32 s31, s13;
	s13 =	simm.s32 $0x200;
	[tilespmem:s11+$0xFFFFFFC0] =	vst v16  }
.LBB2_8:
0xf7: {  	p0 =	sne.s32 s13, $0xFF00;
	v16 =	vld [tilespmem:s14+$0x30]  }
0xf8: {  	v17 =	vld [tilespmem:s14+$0x70]  }
0xf9: {  	v18 =	vld [tilespmem:s14+$0x430]  }
0xfa: {  	v19 =	vld [tilespmem:s14+$0x470];
	_ =	sdelay $0x1  }
0xfb: {  	vm0 =	vgt.f32 v16, v4  }
0xfc: {  	v16 =	vsel vm0, v7, v5  }
0xfd: {  	vm1 =	vgt.f32 v17, v16  }
0xfe: {  	v16 =	vsel vm1, v10, v8;
	v17 =	vsel vm1, v6, v3  }
0xff: {  	v16 =	vsel vm0, v16, v17  }
0x100: {  	vm2 =	vgt.f32 v18, v16  }
0x101: {  	v16 =	vsel vm2, v14, v13  }
0x102: {  	v17 =	vsel vm2, v15, v12;
	v18 =	vsel vm2, v11, v9;
	v20 =	vsel vm2, v2, v1  }
0x103: {  	v16 =	vsel vm1, v16, v17;
	v17 =	vsel vm1, v18, v20  }
0x104: {  	v18 =	vsel vm1, $0x4, v0;
	v16 =	vsel vm0, v16, v17;
	v17 =	vsel vm0, $0x8, v0  }
.Ltmp3:
0x105: {  	vm0 =	vgt.f32 v19, v16;
	v16 =	vor.u32 v17, v18;
	v17 =	vsel vm2, $0x2, v0;
	(pc) =	sbr.rel @p0 .LBB2_8-.Ltmp3, $4  }
0x106: {  	v16 =	vor.u32 v17, v16;
	v17 =	vsel vm0, $0x1, v0  }
0x107: {  	s12 =	sadd.s32 $0x80, s12;
	s11 =	sadd.s32 $0x80, s11;
	v16 =	vor.u32 v17, v16  }
0x108: {  	s15 =	sand.u32 $0x380, s12;
	s14 =	sand.u32 $0xF800, s13;
	[tilespmem:s11+$0x0] =	vst v16  }
0x109: {  	s13 =	sadd.s32 $0x100, s13;
	s14 =	sor.u32 s15, s14;
	[tilespmem:s11+$0xFFFFFFC0] =	vst v16  }
0x10a: {  	v16 =	vld [tilespmem:s14+$0x30];
	_ =	sdelay $0x1  }
0x10b: {  	v17 =	vld [tilespmem:s14+$0x70];
	_ =	sdelay $0x2  }
0x10c: {  	v18 =	vld [tilespmem:s14+$0x430];
	vm0 =	vgt.f32 v16, v4  }
0x10d: {  	v4 =	vsel vm0, v7, v5  }
0x10e: {  	vm1 =	vgt.f32 v17, v4  }
0x10f: {  	v4 =	vsel vm1, v10, v8;
	v3 =	vsel vm1, v6, v3  }
0x110: {  	v3 =	vsel vm0, v4, v3  }
0x111: {  	v61 =	vld [tilespmem:s14+$0x470];
	vm2 =	vgt.f32 v18, v3  }
0x112: {  	v3 =	vsel vm2, v14, v13  }
0x113: {  	v62 =	vsel vm2, v15, v12;
	v63 =	vsel vm2, v11, v9;
	v1 =	vsel vm2, v2, v1  }
0x114: {  	v2 =	vsel vm1, v3, v62;
	v1 =	vsel vm1, v63, v1  }
0x115: {  	v3 =	vsel vm1, $0x4, v0;
	v1 =	vsel vm0, v2, v1;
	v2 =	vsel vm0, $0x8, v0  }
0x116: {  	vm15 =	vgt.f32 v61, v1;
	v1 =	vor.u32 v2, v3;
	v2 =	vsel vm2, $0x2, v0  }
0x117: {  	v1 =	vor.u32 v2, v1;
	v2 =	vsel vm15, $0x1, v0  }
0x118: {  	s11 =	sadd.s32 $0x80, s11;
	s10 =	sadd.s32 $0x1, s10;
	v1 =	vor.u32 v2, v1  }
0x119: {  	p0 =	sne.s32 s10, s6;
	[tilespmem:s11+$0x0] =	vst v1  }
.Ltmp4:
0x11a: {  	[tilespmem:s11+$0xFFFFFFC0] =	vst v1;
	(pc) =	sbr.rel @p0 .LBB2_1-.Ltmp4, $4  }
0x11b: {  	[hbm4b:s5+s2] =	stream.linear.scatter [tilespmem:s9], [sflag:$0x1], $0x8000, $0x38;
	[tilespmem:$0x18400] =	vst v63  }
0x11c: {  	_ =	swait.ge [sflag:s7], $0x8000  }
0x11d: {  	[sflag:s7] =	ssyncset.done $0x0  }
0x11e: {  	[sflag:s7] =	ssyncadd.s32 $0xFFFF8000  }
0x11f: {  	_ =	sfence.sel $0x180000  }
0x120: {  	[bflag:$0x0] =	sbarrier.arrive $0xFFFF  }
0x121: {  	p0 =	sne.s32 s1, $0x0;
	_ =	strace $0x90000047  }
0x122: {  	s0 =	sadd.s32 @!p0 $0x100000, s0;
	[bflag:$0x2] =	sbarrier.arrive $0xFFFF  }
0x123: {  	[sflag:s0] =	ssyncadd.tile.s32 @!p0 $0x1;
	_ =	shalt  }
.Lfunc_end2:
_tile_overlayer_lowered:
.L_overlay_start_2:
0x124: {  	(tag) =	ssettag $0x2  }
0x125: {  	s0 =	rddreg [dreg:$0x0];
	s2 =	stileid.u32  }
0x126: {  	s1 =	rddreg [dreg:$0x1];
	p0 =	sne.s32 s2, $0x0  }
0x127: {  	s3 =	rddreg [dreg:$0x2];
	[bflag:$0x3] =	sbarrier.arrive $0xFFFF;
	s2 =	simm.s32 @!p0 $0x1C01  }
0x128: {  	[timem:s3], [sflag:s2] =	dma.local @!p0 [hbm:s0], s1  }
0x129: {  	s0 =	simm.s32 @!p0 $0x1  }
0x12a: {  	_ =	swait.ge @!p0 [sflag:s0], s1  }
0x12b: {  	s1 =	ssub.s32 @!p0 $0x0, s1;
	[sflag:s0] =	ssyncset.done @!p0 $0x0  }
0x12c: {  	[sflag:s0] =	ssyncadd.s32 @!p0 s1  }
0x12d: {  	[bflag:$0x3] =	sbarrier.arrive $0xFFFF  }
0x12e: {  	_ =	shalt  }

</sc_bundles>
